<compile_context>
chip_gen: v7x
topology: tpu7x:2x2x1
jax: 0.10.2.dev20260603
libtpu: 0.0.44.dev20260713+nightly
codegen_flags: <defaults>
</compile_context>

<pallas_src>
import functools

import jax
import jax.numpy as jnp
from jax import lax
from jax.experimental import pallas as pl
from jax.experimental.pallas import tpu as pltpu
from jax.experimental.pallas import tpu_sc as plsc

F = 26
V = 100000
D = 16
NC_FEAT = 13
CD = 16
OD = 128

L = 16
SC_CORES = 2
SC_SUBCORES = 16
NW = SC_CORES * SC_SUBCORES

FP = 32
CHUNK = 1024
SUB = 128
G = CHUNK // SUB
TOK_PER_CHUNK = CHUNK // FP
DWIN = TOK_PER_CHUNK * F


CH_A = 2048
BSTRIDE = CH_A + 8
NA_PER_F = V // CH_A
VA = NA_PER_F * CH_A
CH_B = (V - VA) // 128 * 128
VB = VA + CH_B
CH_C = V - VB
RPF = 12504
VP = RPF * 8


def _sc_linearize(t2, t_tail):
    mesh = plsc.VectorSubcoreMesh(core_axis_name="c", subcore_axis_name="s")
    n_jobs_a = F * NA_PER_F
    jobs_per_w = n_jobs_a // NW

    @functools.partial(
        pl.kernel,
        out_type=jax.ShapeDtypeStruct((F, RPF, 128), jnp.float32),
        mesh=mesh,
        scratch_types=[
            pltpu.VMEM((D * BSTRIDE,), jnp.float32),
            pltpu.VMEM((CH_A * D // 128, 128), jnp.float32),
            pltpu.SemaphoreType.DMA,
        ],
        compiler_params=pltpu.CompilerParams(
            use_tc_tiling_on_sc=True, needs_layout_passes=False),
    )
    def k(t_hbm, tail_hbm, out_hbm, buf_v, row_v, sem):
        wid = lax.axis_index("s") * SC_CORES + lax.axis_index("c")
        lane = lax.iota(jnp.int32, L)
        idx0 = lane * BSTRIDE

        def make_job(ch, src=None, stage=None):
            src_hbm = t_hbm if src is None else src
            ch_stage = ch if stage is None else stage

            def job(f, v0, src_v0=None):
                sv0 = v0 if src_v0 is None else src_v0
                copies = []
                for j in range(D):
                    copies.append(pltpu.async_copy(
                        src_hbm.at[f, j, pl.ds(sv0, ch_stage)],
                        buf_v.at[pl.ds(j * BSTRIDE, ch_stage)],
                        sem,
                    ))
                for cp in copies:
                    cp.wait()

                def vloop8(i8, idx):
                    for k in range(8):
                        row = plsc.load_gather(buf_v, [idx + k])
                        row_v[i8, pl.ds(k * 16, 16)] = row
                    return idx + 8

                lax.fori_loop(0, ch // 8, vloop8, idx0, unroll=2)
                r0 = pl.multiple_of(v0 // 8, 8)
                pltpu.sync_copy(row_v.at[pl.ds(0, ch // 8), :],
                                out_hbm.at[f, pl.ds(r0, ch // 8), :])
            return job

        job_a = make_job(CH_A)
        job_b = make_job(CH_B)
        job_c = make_job(CH_C, src=tail_hbm, stage=128)

        def a_body(i, carry):
            jid = wid * jobs_per_w + i
            job_a(jid // NA_PER_F, (jid % NA_PER_F) * CH_A)
            return carry

        lax.fori_loop(0, jobs_per_w, a_body, 0)

        @pl.when(wid < F)
        def _():
            job_b(wid, VA)
            job_c(wid, VB, src_v0=0)

    return k(t2, t_tail)


CV = 2048


def _tc_linearize(t2):
    nv = (VP + CV - 1) // CV

    def body(t_ref, o_ref):
        y = jnp.swapaxes(t_ref[0], 0, 1)
        y3 = y.reshape(CV // 8, 8, D)
        for h in range(8):
            o_ref[0, :, pl.ds(h * D, D)] = y3[:, h, :]

    return pl.pallas_call(
        body,
        grid=(F, nv),
        in_specs=[pl.BlockSpec((1, D, CV), lambda f, c: (f, 0, c))],
        out_specs=pl.BlockSpec((1, CV * D // 128, 128), lambda f, c: (f, c, 0)),
        out_shape=jax.ShapeDtypeStruct((F, RPF, 128), jnp.float32),
    )(t2)


def _sc_gather(d_t_flat, table_flat, n_tok):
    n_units = n_tok * FP
    units_per_w = n_units // NW
    n_chunks = units_per_w // CHUNK
    assert units_per_w % CHUNK == 0

    mesh = plsc.VectorSubcoreMesh(core_axis_name="c", subcore_axis_name="s")

    @functools.partial(
        pl.kernel,
        out_type=jax.ShapeDtypeStruct((n_units, D), jnp.float32),
        mesh=mesh,
        scratch_types=[
            pltpu.VMEM((DWIN,), jnp.int32),
            pltpu.VMEM((CHUNK,), jnp.int32),
            pltpu.VMEM((CHUNK, D), jnp.float32),
            pltpu.SemaphoreType.DMA,
        ],
        compiler_params=pltpu.CompilerParams(
            use_tc_tiling_on_sc=False, needs_layout_passes=False),
    )
    def k(d_hbm, tbl_hbm, emb_hbm, dwin_v, idx_v, rows_v, sem):
        wid = lax.axis_index("s") * SC_CORES + lax.axis_index("c")
        lane = lax.iota(jnp.int32, L)

        tok_per_w = units_per_w // FP

        def chunk_body(j, carry):
            u0 = wid * units_per_w + j * CHUNK
            tok0 = wid * tok_per_w + j * TOK_PER_CHUNK
            d0 = pl.multiple_of(tok0 * F, 8)
            pltpu.sync_copy(d_hbm.at[pl.ds(d0, DWIN)], dwin_v)

            def make_idx(g, carry2):
                u = u0 + g * L + lane
                h = lax.bitwise_and(u, 7)
                r = lax.bitwise_and(lax.shift_right_logical(u, 3), 7)
                t = lax.bitwise_and(lax.shift_right_logical(u, 6), 3)
                rb = lax.shift_right_logical(u, 8)
                tp = rb * 8 + r
                f = t * 8 + h
                f_safe = jnp.minimum(f, F - 1)
                d_off = (tp - tok0) * F + f_safe
                dval = plsc.load_gather(dwin_v, [d_off])
                idx_v[pl.ds(g * L, L)] = dval + f_safe * VP
                return carry2

            lax.fori_loop(0, CHUNK // L, make_idx, 0, unroll=4)

            copies = []
            for g in range(G):
                copies.append(pltpu.async_copy(
                    tbl_hbm.at[idx_v.at[pl.ds(g * SUB, SUB)]],
                    rows_v.at[pl.ds(g * SUB, SUB)],
                    sem,
                ))
            for cp in copies:
                cp.wait()
            pltpu.sync_copy(rows_v, emb_hbm.at[pl.ds(u0, CHUNK)])
            return carry

        lax.fori_loop(0, n_chunks, chunk_body, 0)

    return k(d_t_flat, table_flat)


def _tc_project(emb4, c3, w4, w_enc, b_enc2, w_bot, b_fc2, n_b, n_s, bb):

    def body(emb_ref, c_ref, w4_ref, we_ref, be_ref, wb_ref, bf_ref, o_ref):
        cb = c_ref[...].reshape(bb, NC_FEAT)
        enc = jnp.dot(cb, we_ref[...], preferred_element_type=jnp.float32)
        enc = enc + be_ref[...]
        acc = jnp.dot(enc, wb_ref[...], preferred_element_type=jnp.float32)
        acc = acc + bf_ref[...]
        for t in range(4):
            xt = emb_ref[:, t].reshape(bb, 128)
            acc = acc + jnp.dot(xt, w4_ref[t], preferred_element_type=jnp.float32)
        o_ref[...] = acc.reshape(1, bb, OD)

    return pl.pallas_call(
        body,
        grid=(n_s, n_b // bb),
        in_specs=[
            pl.BlockSpec((bb // 8, 4, 8, 128), lambda s, i: (s * (4096 // bb) + i, 0, 0, 0)),
            pl.BlockSpec((1, bb, NC_FEAT), lambda s, i: (s, i, 0)),
            pl.BlockSpec((4, 128, 128), lambda s, i: (0, 0, 0)),
            pl.BlockSpec((NC_FEAT, CD), lambda s, i: (0, 0)),
            pl.BlockSpec((1, CD), lambda s, i: (0, 0)),
            pl.BlockSpec((CD, OD), lambda s, i: (0, 0)),
            pl.BlockSpec((1, OD), lambda s, i: (0, 0)),
        ],
        out_specs=pl.BlockSpec((1, bb, OD), lambda s, i: (s, i, 0)),
        out_shape=jax.ShapeDtypeStruct((n_s, n_b, OD), jnp.float32),
    )(emb4, c3, w4, w_enc, b_enc2, w_bot, b_fc2)


def kernel(c, d, tables, W_enc, b_enc, W_fc, b_fc):
    B, S, _ = c.shape
    n_tok = B * S

    d_t_flat = jnp.transpose(d, (1, 0, 2)).reshape(n_tok * F)
    t2 = jnp.swapaxes(tables, 1, 2)
    table_flat = _tc_linearize(t2).reshape(F * VP, D)

    emb = _sc_gather(d_t_flat, table_flat, n_tok)
    emb4 = emb.reshape(n_tok // 8, 4, 8, 128)

    w_pad = jnp.concatenate(
        [W_fc[: F * D], jnp.zeros((FP * D - F * D, OD), jnp.float32)], axis=0)
    w4 = w_pad.reshape(4, 128, 128)
    w_bot = W_fc[F * D:]

    c_t = jnp.transpose(c, (1, 0, 2))
    out_t = _tc_project(emb4, c_t, w4, W_enc, b_enc.reshape(1, CD),
                        w_bot, b_fc.reshape(1, OD), B, S, bb=1024)
    return jnp.transpose(out_t, (1, 0, 2))

# --- scband reference (transcript-rebuilt; emitter-appended) ---
"""Pipeline reference for scband-dual-projection-1700807050015 (READ-ONLY COPY).

The authoritative reference and input builder live on the scoring server;
editing this copy changes nothing except your own understanding.
"""

import jax, jax.numpy as jnp
import numpy as np

F = 26
V = 100000
D = 16
B = 4096
S = 20
NC = 13
CD = 16
OD = 128


def setup_inputs(seed: int = 0) -> dict:
    key = jax.random.key(seed)
    ks = jax.random.split(key, 6)
    c = jax.random.normal(ks[0], (B, S, NC), dtype=jnp.float32)
    d = jax.random.randint(ks[1], (B, S, F), 0, V, dtype=jnp.int32)
    tables = jax.random.normal(ks[2], (F, V, D), dtype=jnp.float32) * 0.02
    W_enc = jax.random.normal(ks[3], (NC, CD), dtype=jnp.float32) * (1.0 / np.sqrt(NC))
    b_enc = jnp.zeros((CD,), dtype=jnp.float32)
    enc_dim = F * D + CD
    W_fc = jax.random.normal(ks[4], (enc_dim, OD), dtype=jnp.float32) * (1.0 / np.sqrt(enc_dim))
    b_fc = jnp.zeros((OD,), dtype=jnp.float32)
    return {"c": c, "d": d, "tables": tables, "W_enc": W_enc, "b_enc": b_enc, "W_fc": W_fc, "b_fc": b_fc}


def reference(c, d, tables, W_enc, b_enc, W_fc, b_fc):
    # per-field embedding lookup: emb_i = tables[i][d[:, :, i]]  -> [B, S, D]
    embs = [jnp.take(tables[i], d[:, :, i], axis=0) for i in range(F)]
    embeddings = jnp.concatenate(embs, axis=-1)  # [B, S, F*D]
    # continuous encoding: Linear(numContinuous -> continuousDim)
    encodings = jnp.dot(c, W_enc) + b_enc  # [B, S, CD]
    x = jnp.concatenate([embeddings, encodings], axis=-1)  # [B, S, F*D + CD]
    # dropout p=0.0 (inference) is identity
    out = jnp.dot(x, W_fc) + b_fc  # [B, S, OD]
    return out

if __name__ == "__main__":
    import jax
    _d = setup_inputs()
    print(jax.jit(kernel)(*tuple(_d.values())))

</pallas_src>

<mosaic_0001>
#map = affine_map<(d0, d1) -> (0)>
#map1 = affine_map<(d0, d1) -> (0, 0)>
module attributes {stable_mosaic.version = 14 : i64} {
  func.func @k(%arg0: i32, %arg1: i32, %arg2: memref<2129920xi32, #tpu.memory_space<hbm>>, %arg3: memref<2600832x16xf32, #tpu.memory_space<hbm>>, %arg4: memref<2621440x16xf32, #tpu.memory_space<hbm>>, %arg5: memref<832xi32, #tpu.memory_space<vmem>>, %arg6: memref<1024xi32, #tpu.memory_space<vmem>>, %arg7: memref<1024x16xf32, #tpu.memory_space<vmem>>, %arg8: memref<!tpu.dma_semaphore, #tpu.memory_space<semaphore_mem>>) attributes {dimension_semantics = [#tpu.dimension_semantics<core_parallel>, #tpu.dimension_semantics<subcore_parallel>], iteration_bounds = array<i64: 2, 16>, scalar_prefetch = 0 : i64, scratch_operands = 4 : i64, tpu.core_type = #tpu.core_type<sc_vector_subcore>, window_params = [{transform_indices = #map}, {transform_indices = #map1}, {transform_indices = #map1}]} {
    %mul3A = arith.constant 2 : i32
    %mul3A_0 = arith.muli %arg1, %mul3A : i32
    %add3A = arith.addi %mul3A_0, %arg0 : i32
    %iota3A = tpu.iota {dimensions = array<i32: 0>} : vector<16xi32>
    %scan3A = arith.constant 0 : i32
    %scan3A_1 = arith.constant 0 : i32
    %scan3A_2 = arith.constant 80 : i32
    %scan3A_3 = arith.addi %scan3A_1, %scan3A_2 : i32
    %scan3A_4 = arith.constant 1 : i32
    scf.for %scan3A_6 = %scan3A_1 to %scan3A_3 step %scan3A_4  : i32 {
      %mul3A_7 = arith.constant 81920 : i32
      %mul3A_8 = arith.muli %add3A, %mul3A_7 : i32
      %mul3A_9 = arith.constant 1024 : i32
      %mul3A_10 = arith.muli %scan3A_6, %mul3A_9 : i32
      %add3A_11 = arith.addi %mul3A_8, %mul3A_10 : i32
      %mul3A_12 = arith.constant 2560 : i32
      %mul3A_13 = arith.muli %add3A, %mul3A_12 : i32
      %mul3A_14 = arith.constant 32 : i32
      %mul3A_15 = arith.muli %scan3A_6, %mul3A_14 : i32
      %add3A_16 = arith.addi %mul3A_13, %mul3A_15 : i32
      %mul3A_17 = arith.constant 26 : i32
      %mul3A_18 = arith.muli %add3A_16, %mul3A_17 : i32
      %multiple_of3A = tpu.assume_multiple %mul3A_18, 8 : i32
      "tpu.region"() ({
        %run_scoped3A = tpu.sem_alloc : memref<!tpu.dma_semaphore, #tpu.memory_space<semaphore_mem>>
        %dma_start3A_151 = tpu.memref_slice %arg2[%multiple_of3A] : memref<2129920xi32, #tpu.memory_space<hbm>> -> memref<832xi32, #tpu.memory_space<hbm>>
        %dma_start3A_152 = tpu.memref_slice %arg2[%multiple_of3A] : memref<2129920xi32, #tpu.memory_space<hbm>> -> memref<832xi32, #tpu.memory_space<hbm>>
        tpu.enqueue_dma source(%dma_start3A_152 : memref<832xi32, #tpu.memory_space<hbm>>) target(%arg5 : memref<832xi32, #tpu.memory_space<vmem>>) target_semaphore(%run_scoped3A : memref<!tpu.dma_semaphore, #tpu.memory_space<semaphore_mem>>)
        %dma_wait3A_153 = tpu.memref_slice %arg2[%multiple_of3A] : memref<2129920xi32, #tpu.memory_space<hbm>> -> memref<832xi32, #tpu.memory_space<hbm>>
        %dma_wait3A_154 = tpu.memref_slice %arg2[%multiple_of3A] : memref<2129920xi32, #tpu.memory_space<hbm>> -> memref<832xi32, #tpu.memory_space<hbm>>
        tpu.wait_dma2 semaphore(%run_scoped3A : memref<!tpu.dma_semaphore, #tpu.memory_space<semaphore_mem>>) src(%dma_wait3A_154 : memref<832xi32, #tpu.memory_space<hbm>>) dst(%arg5 : memref<832xi32, #tpu.memory_space<vmem>>)
        tpu.yield
      }) : () -> ()
      %scan3A_19 = arith.constant 0 : i32
      %scan3A_20 = arith.constant 0 : i32
      %scan3A_21 = arith.constant 64 : i32
      %scan3A_22 = arith.addi %scan3A_20, %scan3A_21 : i32
      %scan3A_23 = arith.constant 4 : i32
      scf.for %scan3A_151 = %scan3A_20 to %scan3A_22 step %scan3A_23  : i32 {
        %mul3A_152 = arith.constant 16 : i32
        %mul3A_153 = arith.muli %scan3A_151, %mul3A_152 : i32
        %add3A_154 = arith.addi %add3A_11, %mul3A_153 : i32
        %add3A_155 = vector.broadcast %add3A_154 : i32 to vector<16xi32>
        %add3A_156 = arith.addi %add3A_155, %iota3A : vector<16xi32>
        %and3A = arith.constant 7 : i32
        %and3A_157 = vector.broadcast %and3A : i32 to vector<16xi32>
        %and3A_158 = arith.andi %add3A_156, %and3A_157 : vector<16xi32>
        %shift_right_logical3A = arith.constant 3 : i32
        %shift_right_logical3A_159 = vector.broadcast %shift_right_logical3A : i32 to vector<16xi32>
        %shift_right_logical3A_160 = arith.shrui %add3A_156, %shift_right_logical3A_159 : vector<16xi32>
        %and3A_161 = arith.constant 7 : i32
        %and3A_162 = vector.broadcast %and3A_161 : i32 to vector<16xi32>
        %and3A_163 = arith.andi %shift_right_logical3A_160, %and3A_162 : vector<16xi32>
        %shift_right_logical3A_164 = arith.constant 6 : i32
        %shift_right_logical3A_165 = vector.broadcast %shift_right_logical3A_164 : i32 to vector<16xi32>
        %shift_right_logical3A_166 = arith.shrui %add3A_156, %shift_right_logical3A_165 : vector<16xi32>
        %and3A_167 = arith.constant 3 : i32
        %and3A_168 = vector.broadcast %and3A_167 : i32 to vector<16xi32>
        %and3A_169 = arith.andi %shift_right_logical3A_166, %and3A_168 : vector<16xi32>
        %shift_right_logical3A_170 = arith.constant 8 : i32
        %shift_right_logical3A_171 = vector.broadcast %shift_right_logical3A_170 : i32 to vector<16xi32>
        %shift_right_logical3A_172 = arith.shrui %add3A_156, %shift_right_logical3A_171 : vector<16xi32>
        %mul3A_173 = arith.constant 8 : i32
        %mul3A_174 = vector.broadcast %mul3A_173 : i32 to vector<16xi32>
        %mul3A_175 = arith.muli %shift_right_logical3A_172, %mul3A_174 : vector<16xi32>
        %add3A_176 = arith.addi %mul3A_175, %and3A_163 : vector<16xi32>
        %mul3A_177 = arith.constant 8 : i32
        %mul3A_178 = vector.broadcast %mul3A_177 : i32 to vector<16xi32>
        %mul3A_179 = arith.muli %and3A_169, %mul3A_178 : vector<16xi32>
        %add3A_180 = arith.addi %mul3A_179, %and3A_158 : vector<16xi32>
        %min3A = arith.constant 25 : i32
        %min3A_181 = vector.broadcast %min3A : i32 to vector<16xi32>
        %min3A_182 = arith.minsi %add3A_180, %min3A_181 : vector<16xi32>
        %sub3A = vector.broadcast %add3A_16 : i32 to vector<16xi32>
        %sub3A_183 = arith.subi %add3A_176, %sub3A : vector<16xi32>
        %mul3A_184 = arith.constant 26 : i32
        %mul3A_185 = vector.broadcast %mul3A_184 : i32 to vector<16xi32>
        %mul3A_186 = arith.muli %sub3A_183, %mul3A_185 : vector<16xi32>
        %add3A_187 = arith.addi %mul3A_186, %min3A_182 : vector<16xi32>
        %gather3A = tpu.vector_load_idx %arg5[%add3A_187] : memref<832xi32, #tpu.memory_space<vmem>>[vector<16xi32>], vector<16xi32>,
        %mul3A_188 = arith.constant 100032 : i32
        %mul3A_189 = vector.broadcast %mul3A_188 : i32 to vector<16xi32>
        %mul3A_190 = arith.muli %min3A_182, %mul3A_189 : vector<16xi32>
        %add3A_191 = arith.addi %gather3A, %mul3A_190 : vector<16xi32>
        %mul3A_192 = arith.constant 16 : i32
        %mul3A_193 = arith.muli %scan3A_151, %mul3A_192 : i32
        %swap3A = arith.index_cast %mul3A_193 : i32 to index
        %swap3A_194 = tpu.vector_load %arg6[%swap3A] {strides = array<i32>} : memref<1024xi32, #tpu.memory_space<vmem>>, vector<16xi32>,
        tpu.vector_store %arg6[%swap3A], %add3A_191 {strides = array<i32>} : memref<1024xi32, #tpu.memory_space<vmem>>, vector<16xi32>,
        %scan3A_195 = arith.constant 1 : i32
        %scan3A_196 = arith.addi %scan3A_151, %scan3A_195 : i32
        %mul3A_197 = arith.constant 16 : i32
        %mul3A_198 = arith.muli %scan3A_196, %mul3A_197 : i32
        %add3A_199 = arith.addi %add3A_11, %mul3A_198 : i32
        %add3A_200 = vector.broadcast %add3A_199 : i32 to vector<16xi32>
        %add3A_201 = arith.addi %add3A_200, %iota3A : vector<16xi32>
        %and3A_202 = arith.constant 7 : i32
        %and3A_203 = vector.broadcast %and3A_202 : i32 to vector<16xi32>
        %and3A_204 = arith.andi %add3A_201, %and3A_203 : vector<16xi32>
        %shift_right_logical3A_205 = arith.constant 3 : i32
        %shift_right_logical3A_206 = vector.broadcast %shift_right_logical3A_205 : i32 to vector<16xi32>
        %shift_right_logical3A_207 = arith.shrui %add3A_201, %shift_right_logical3A_206 : vector<16xi32>
        %and3A_208 = arith.constant 7 : i32
        %and3A_209 = vector.broadcast %and3A_208 : i32 to vector<16xi32>
        %and3A_210 = arith.andi %shift_right_logical3A_207, %and3A_209 : vector<16xi32>
        %shift_right_logical3A_211 = arith.constant 6 : i32
        %shift_right_logical3A_212 = vector.broadcast %shift_right_logical3A_211 : i32 to vector<16xi32>
        %shift_right_logical3A_213 = arith.shrui %add3A_201, %shift_right_logical3A_212 : vector<16xi32>
        %and3A_214 = arith.constant 3 : i32
        %and3A_215 = vector.broadcast %and3A_214 : i32 to vector<16xi32>
        %and3A_216 = arith.andi %shift_right_logical3A_213, %and3A_215 : vector<16xi32>
        %shift_right_logical3A_217 = arith.constant 8 : i32
        %shift_right_logical3A_218 = vector.broadcast %shift_right_logical3A_217 : i32 to vector<16xi32>
        %shift_right_logical3A_219 = arith.shrui %add3A_201, %shift_right_logical3A_218 : vector<16xi32>
        %mul3A_220 = arith.constant 8 : i32
        %mul3A_221 = vector.broadcast %mul3A_220 : i32 to vector<16xi32>
        %mul3A_222 = arith.muli %shift_right_logical3A_219, %mul3A_221 : vector<16xi32>
        %add3A_223 = arith.addi %mul3A_222, %and3A_210 : vector<16xi32>
        %mul3A_224 = arith.constant 8 : i32
        %mul3A_225 = vector.broadcast %mul3A_224 : i32 to vector<16xi32>
        %mul3A_226 = arith.muli %and3A_216, %mul3A_225 : vector<16xi32>
        %add3A_227 = arith.addi %mul3A_226, %and3A_204 : vector<16xi32>
        %min3A_228 = arith.constant 25 : i32
        %min3A_229 = vector.broadcast %min3A_228 : i32 to vector<16xi32>
        %min3A_230 = arith.minsi %add3A_227, %min3A_229 : vector<16xi32>
        %sub3A_231 = vector.broadcast %add3A_16 : i32 to vector<16xi32>
        %sub3A_232 = arith.subi %add3A_223, %sub3A_231 : vector<16xi32>
        %mul3A_233 = arith.constant 26 : i32
        %mul3A_234 = vector.broadcast %mul3A_233 : i32 to vector<16xi32>
        %mul3A_235 = arith.muli %sub3A_232, %mul3A_234 : vector<16xi32>
        %add3A_236 = arith.addi %mul3A_235, %min3A_230 : vector<16xi32>
        %gather3A_237 = tpu.vector_load_idx %arg5[%add3A_236] : memref<832xi32, #tpu.memory_space<vmem>>[vector<16xi32>], vector<16xi32>,
        %mul3A_238 = arith.constant 100032 : i32
        %mul3A_239 = vector.broadcast %mul3A_238 : i32 to vector<16xi32>
        %mul3A_240 = arith.muli %min3A_230, %mul3A_239 : vector<16xi32>
        %add3A_241 = arith.addi %gather3A_237, %mul3A_240 : vector<16xi32>
        %mul3A_242 = arith.constant 16 : i32
        %mul3A_243 = arith.muli %scan3A_196, %mul3A_242 : i32
        %swap3A_244 = arith.index_cast %mul3A_243 : i32 to index
        %swap3A_245 = tpu.vector_load %arg6[%swap3A_244] {strides = array<i32>} : memref<1024xi32, #tpu.memory_space<vmem>>, vector<16xi32>,
        tpu.vector_store %arg6[%swap3A_244], %add3A_241 {strides = array<i32>} : memref<1024xi32, #tpu.memory_space<vmem>>, vector<16xi32>,
        %scan3A_246 = arith.constant 2 : i32
        %scan3A_247 = arith.addi %scan3A_151, %scan3A_246 : i32
        %mul3A_248 = arith.constant 16 : i32
        %mul3A_249 = arith.muli %scan3A_247, %mul3A_248 : i32
        %add3A_250 = arith.addi %add3A_11, %mul3A_249 : i32
        %add3A_251 = vector.broadcast %add3A_250 : i32 to vector<16xi32>
        %add3A_252 = arith.addi %add3A_251, %iota3A : vector<16xi32>
        %and3A_253 = arith.constant 7 : i32
        %and3A_254 = vector.broadcast %and3A_253 : i32 to vector<16xi32>
        %and3A_255 = arith.andi %add3A_252, %and3A_254 : vector<16xi32>
        %shift_right_logical3A_256 = arith.constant 3 : i32
        %shift_right_logical3A_257 = vector.broadcast %shift_right_logical3A_256 : i32 to vector<16xi32>
        %shift_right_logical3A_258 = arith.shrui %add3A_252, %shift_right_logical3A_257 : vector<16xi32>
        %and3A_259 = arith.constant 7 : i32
        %and3A_260 = vector.broadcast %and3A_259 : i32 to vector<16xi32>
        %and3A_261 = arith.andi %shift_right_logical3A_258, %and3A_260 : vector<16xi32>
        %shift_right_logical3A_262 = arith.constant 6 : i32
        %shift_right_logical3A_263 = vector.broadcast %shift_right_logical3A_262 : i32 to vector<16xi32>
        %shift_right_logical3A_264 = arith.shrui %add3A_252, %shift_right_logical3A_263 : vector<16xi32>
        %and3A_265 = arith.constant 3 : i32
        %and3A_266 = vector.broadcast %and3A_265 : i32 to vector<16xi32>
        %and3A_267 = arith.andi %shift_right_logical3A_264, %and3A_266 : vector<16xi32>
        %shift_right_logical3A_268 = arith.constant 8 : i32
        %shift_right_logical3A_269 = vector.broadcast %shift_right_logical3A_268 : i32 to vector<16xi32>
        %shift_right_logical3A_270 = arith.shrui %add3A_252, %shift_right_logical3A_269 : vector<16xi32>
        %mul3A_271 = arith.constant 8 : i32
        %mul3A_272 = vector.broadcast %mul3A_271 : i32 to vector<16xi32>
        %mul3A_273 = arith.muli %shift_right_logical3A_270, %mul3A_272 : vector<16xi32>
        %add3A_274 = arith.addi %mul3A_273, %and3A_261 : vector<16xi32>
        %mul3A_275 = arith.constant 8 : i32
        %mul3A_276 = vector.broadcast %mul3A_275 : i32 to vector<16xi32>
        %mul3A_277 = arith.muli %and3A_267, %mul3A_276 : vector<16xi32>
        %add3A_278 = arith.addi %mul3A_277, %and3A_255 : vector<16xi32>
        %min3A_279 = arith.constant 25 : i32
        %min3A_280 = vector.broadcast %min3A_279 : i32 to vector<16xi32>
        %min3A_281 = arith.minsi %add3A_278, %min3A_280 : vector<16xi32>
        %sub3A_282 = vector.broadcast %add3A_16 : i32 to vector<16xi32>
        %sub3A_283 = arith.subi %add3A_274, %sub3A_282 : vector<16xi32>
        %mul3A_284 = arith.constant 26 : i32
        %mul3A_285 = vector.broadcast %mul3A_284 : i32 to vector<16xi32>
        %mul3A_286 = arith.muli %sub3A_283, %mul3A_285 : vector<16xi32>
        %add3A_287 = arith.addi %mul3A_286, %min3A_281 : vector<16xi32>
        %gather3A_288 = tpu.vector_load_idx %arg5[%add3A_287] : memref<832xi32, #tpu.memory_space<vmem>>[vector<16xi32>], vector<16xi32>,
        %mul3A_289 = arith.constant 100032 : i32
        %mul3A_290 = vector.broadcast %mul3A_289 : i32 to vector<16xi32>
        %mul3A_291 = arith.muli %min3A_281, %mul3A_290 : vector<16xi32>
        %add3A_292 = arith.addi %gather3A_288, %mul3A_291 : vector<16xi32>
        %mul3A_293 = arith.constant 16 : i32
        %mul3A_294 = arith.muli %scan3A_247, %mul3A_293 : i32
        %swap3A_295 = arith.index_cast %mul3A_294 : i32 to index
        %swap3A_296 = tpu.vector_load %arg6[%swap3A_295] {strides = array<i32>} : memref<1024xi32, #tpu.memory_space<vmem>>, vector<16xi32>,
        tpu.vector_store %arg6[%swap3A_295], %add3A_292 {strides = array<i32>} : memref<1024xi32, #tpu.memory_space<vmem>>, vector<16xi32>,
        %scan3A_297 = arith.constant 3 : i32
        %scan3A_298 = arith.addi %scan3A_151, %scan3A_297 : i32
        %mul3A_299 = arith.constant 16 : i32
        %mul3A_300 = arith.muli %scan3A_298, %mul3A_299 : i32
        %add3A_301 = arith.addi %add3A_11, %mul3A_300 : i32
        %add3A_302 = vector.broadcast %add3A_301 : i32 to vector<16xi32>
        %add3A_303 = arith.addi %add3A_302, %iota3A : vector<16xi32>
        %and3A_304 = arith.constant 7 : i32
        %and3A_305 = vector.broadcast %and3A_304 : i32 to vector<16xi32>
        %and3A_306 = arith.andi %add3A_303, %and3A_305 : vector<16xi32>
        %shift_right_logical3A_307 = arith.constant 3 : i32
        %shift_right_logical3A_308 = vector.broadcast %shift_right_logical3A_307 : i32 to vector<16xi32>
        %shift_right_logical3A_309 = arith.shrui %add3A_303, %shift_right_logical3A_308 : vector<16xi32>
        %and3A_310 = arith.constant 7 : i32
        %and3A_311 = vector.broadcast %and3A_310 : i32 to vector<16xi32>
        %and3A_312 = arith.andi %shift_right_logical3A_309, %and3A_311 : vector<16xi32>
        %shift_right_logical3A_313 = arith.constant 6 : i32
        %shift_right_logical3A_314 = vector.broadcast %shift_right_logical3A_313 : i32 to vector<16xi32>
        %shift_right_logical3A_315 = arith.shrui %add3A_303, %shift_right_logical3A_314 : vector<16xi32>
        %and3A_316 = arith.constant 3 : i32
        %and3A_317 = vector.broadcast %and3A_316 : i32 to vector<16xi32>
        %and3A_318 = arith.andi %shift_right_logical3A_315, %and3A_317 : vector<16xi32>
        %shift_right_logical3A_319 = arith.constant 8 : i32
        %shift_right_logical3A_320 = vector.broadcast %shift_right_logical3A_319 : i32 to vector<16xi32>
        %shift_right_logical3A_321 = arith.shrui %add3A_303, %shift_right_logical3A_320 : vector<16xi32>
        %mul3A_322 = arith.constant 8 : i32
        %mul3A_323 = vector.broadcast %mul3A_322 : i32 to vector<16xi32>
        %mul3A_324 = arith.muli %shift_right_logical3A_321, %mul3A_323 : vector<16xi32>
        %add3A_325 = arith.addi %mul3A_324, %and3A_312 : vector<16xi32>
        %mul3A_326 = arith.constant 8 : i32
        %mul3A_327 = vector.broadcast %mul3A_326 : i32 to vector<16xi32>
        %mul3A_328 = arith.muli %and3A_318, %mul3A_327 : vector<16xi32>
        %add3A_329 = arith.addi %mul3A_328, %and3A_306 : vector<16xi32>
        %min3A_330 = arith.constant 25 : i32
        %min3A_331 = vector.broadcast %min3A_330 : i32 to vector<16xi32>
        %min3A_332 = arith.minsi %add3A_329, %min3A_331 : vector<16xi32>
        %sub3A_333 = vector.broadcast %add3A_16 : i32 to vector<16xi32>
        %sub3A_334 = arith.subi %add3A_325, %sub3A_333 : vector<16xi32>
        %mul3A_335 = arith.constant 26 : i32
        %mul3A_336 = vector.broadcast %mul3A_335 : i32 to vector<16xi32>
        %mul3A_337 = arith.muli %sub3A_334, %mul3A_336 : vector<16xi32>
        %add3A_338 = arith.addi %mul3A_337, %min3A_332 : vector<16xi32>
        %gather3A_339 = tpu.vector_load_idx %arg5[%add3A_338] : memref<832xi32, #tpu.memory_space<vmem>>[vector<16xi32>], vector<16xi32>,
        %mul3A_340 = arith.constant 100032 : i32
        %mul3A_341 = vector.broadcast %mul3A_340 : i32 to vector<16xi32>
        %mul3A_342 = arith.muli %min3A_332, %mul3A_341 : vector<16xi32>
        %add3A_343 = arith.addi %gather3A_339, %mul3A_342 : vector<16xi32>
        %mul3A_344 = arith.constant 16 : i32
        %mul3A_345 = arith.muli %scan3A_298, %mul3A_344 : i32
        %swap3A_346 = arith.index_cast %mul3A_345 : i32 to index
        %swap3A_347 = tpu.vector_load %arg6[%swap3A_346] {strides = array<i32>} : memref<1024xi32, #tpu.memory_space<vmem>>, vector<16xi32>,
        tpu.vector_store %arg6[%swap3A_346], %add3A_343 {strides = array<i32>} : memref<1024xi32, #tpu.memory_space<vmem>>, vector<16xi32>,
      }
      %scan3A_24 = arith.constant 64 : i32
      %dma_start3A = arith.constant 0 : i32
      %dma_start3A_25 = arith.constant 0 : i32
      %dma_start3A_26 = tpu.memref_slice %arg7[%dma_start3A, %dma_start3A_25] : memref<1024x16xf32, #tpu.memory_space<vmem>> -> memref<128x16xf32, #tpu.memory_space<vmem>>
      %dma_start3A_27 = arith.constant 0 : i32
      %dma_start3A_28 = tpu.memref_slice %arg6[%dma_start3A_27] : memref<1024xi32, #tpu.memory_space<vmem>> -> memref<128xi32, #tpu.memory_space<vmem>>
      %dma_start3A_29 = arith.constant 0 : i32
      %dma_start3A_30 = arith.constant 0 : i32
      %dma_start3A_31 = tpu.memref_slice %arg3[%dma_start3A_29, %dma_start3A_30] : memref<2600832x16xf32, #tpu.memory_space<hbm>> -> memref<2600832x16xf32, #tpu.memory_space<hbm>>
      tpu.enqueue_indirect_dma source(%dma_start3A_31 : memref<2600832x16xf32, #tpu.memory_space<hbm>>) target(%dma_start3A_26 : memref<128x16xf32, #tpu.memory_space<vmem>>) offsets(%dma_start3A_28 : memref<128xi32, #tpu.memory_space<vmem>>) semaphore(%arg8 : memref<!tpu.dma_semaphore, #tpu.memory_space<semaphore_mem>>)
      %dma_start3A_32 = arith.constant 128 : i32
      %dma_start3A_33 = arith.constant 0 : i32
      %dma_start3A_34 = tpu.memref_slice %arg7[%dma_start3A_32, %dma_start3A_33] : memref<1024x16xf32, #tpu.memory_space<vmem>> -> memref<128x16xf32, #tpu.memory_space<vmem>>
      %dma_start3A_35 = arith.constant 128 : i32
      %dma_start3A_36 = tpu.memref_slice %arg6[%dma_start3A_35] : memref<1024xi32, #tpu.memory_space<vmem>> -> memref<128xi32, #tpu.memory_space<vmem>>
      %dma_start3A_37 = arith.constant 0 : i32
      %dma_start3A_38 = arith.constant 0 : i32
      %dma_start3A_39 = tpu.memref_slice %arg3[%dma_start3A_37, %dma_start3A_38] : memref<2600832x16xf32, #tpu.memory_space<hbm>> -> memref<2600832x16xf32, #tpu.memory_space<hbm>>
      tpu.enqueue_indirect_dma source(%dma_start3A_39 : memref<2600832x16xf32, #tpu.memory_space<hbm>>) target(%dma_start3A_34 : memref<128x16xf32, #tpu.memory_space<vmem>>) offsets(%dma_start3A_36 : memref<128xi32, #tpu.memory_space<vmem>>) semaphore(%arg8 : memref<!tpu.dma_semaphore, #tpu.memory_space<semaphore_mem>>)
      %dma_start3A_40 = arith.constant 256 : i32
      %dma_start3A_41 = arith.constant 0 : i32
      %dma_start3A_42 = tpu.memref_slice %arg7[%dma_start3A_40, %dma_start3A_41] : memref<1024x16xf32, #tpu.memory_space<vmem>> -> memref<128x16xf32, #tpu.memory_space<vmem>>
      %dma_start3A_43 = arith.constant 256 : i32
      %dma_start3A_44 = tpu.memref_slice %arg6[%dma_start3A_43] : memref<1024xi32, #tpu.memory_space<vmem>> -> memref<128xi32, #tpu.memory_space<vmem>>
      %dma_start3A_45 = arith.constant 0 : i32
      %dma_start3A_46 = arith.constant 0 : i32
      %dma_start3A_47 = tpu.memref_slice %arg3[%dma_start3A_45, %dma_start3A_46] : memref<2600832x16xf32, #tpu.memory_space<hbm>> -> memref<2600832x16xf32, #tpu.memory_space<hbm>>
      tpu.enqueue_indirect_dma source(%dma_start3A_47 : memref<2600832x16xf32, #tpu.memory_space<hbm>>) target(%dma_start3A_42 : memref<128x16xf32, #tpu.memory_space<vmem>>) offsets(%dma_start3A_44 : memref<128xi32, #tpu.memory_space<vmem>>) semaphore(%arg8 : memref<!tpu.dma_semaphore, #tpu.memory_space<semaphore_mem>>)
      %dma_start3A_48 = arith.constant 384 : i32
      %dma_start3A_49 = arith.constant 0 : i32
      %dma_start3A_50 = tpu.memref_slice %arg7[%dma_start3A_48, %dma_start3A_49] : memref<1024x16xf32, #tpu.memory_space<vmem>> -> memref<128x16xf32, #tpu.memory_space<vmem>>
      %dma_start3A_51 = arith.constant 384 : i32
      %dma_start3A_52 = tpu.memref_slice %arg6[%dma_start3A_51] : memref<1024xi32, #tpu.memory_space<vmem>> -> memref<128xi32, #tpu.memory_space<vmem>>
      %dma_start3A_53 = arith.constant 0 : i32
      %dma_start3A_54 = arith.constant 0 : i32
      %dma_start3A_55 = tpu.memref_slice %arg3[%dma_start3A_53, %dma_start3A_54] : memref<2600832x16xf32, #tpu.memory_space<hbm>> -> memref<2600832x16xf32, #tpu.memory_space<hbm>>
      tpu.enqueue_indirect_dma source(%dma_start3A_55 : memref<2600832x16xf32, #tpu.memory_space<hbm>>) target(%dma_start3A_50 : memref<128x16xf32, #tpu.memory_space<vmem>>) offsets(%dma_start3A_52 : memref<128xi32, #tpu.memory_space<vmem>>) semaphore(%arg8 : memref<!tpu.dma_semaphore, #tpu.memory_space<semaphore_mem>>)
      %dma_start3A_56 = arith.constant 512 : i32
      %dma_start3A_57 = arith.constant 0 : i32
      %dma_start3A_58 = tpu.memref_slice %arg7[%dma_start3A_56, %dma_start3A_57] : memref<1024x16xf32, #tpu.memory_space<vmem>> -> memref<128x16xf32, #tpu.memory_space<vmem>>
      %dma_start3A_59 = arith.constant 512 : i32
      %dma_start3A_60 = tpu.memref_slice %arg6[%dma_start3A_59] : memref<1024xi32, #tpu.memory_space<vmem>> -> memref<128xi32, #tpu.memory_space<vmem>>
      %dma_start3A_61 = arith.constant 0 : i32
      %dma_start3A_62 = arith.constant 0 : i32
      %dma_start3A_63 = tpu.memref_slice %arg3[%dma_start3A_61, %dma_start3A_62] : memref<2600832x16xf32, #tpu.memory_space<hbm>> -> memref<2600832x16xf32, #tpu.memory_space<hbm>>
      tpu.enqueue_indirect_dma source(%dma_start3A_63 : memref<2600832x16xf32, #tpu.memory_space<hbm>>) target(%dma_start3A_58 : memref<128x16xf32, #tpu.memory_space<vmem>>) offsets(%dma_start3A_60 : memref<128xi32, #tpu.memory_space<vmem>>) semaphore(%arg8 : memref<!tpu.dma_semaphore, #tpu.memory_space<semaphore_mem>>)
      %dma_start3A_64 = arith.constant 640 : i32
      %dma_start3A_65 = arith.constant 0 : i32
      %dma_start3A_66 = tpu.memref_slice %arg7[%dma_start3A_64, %dma_start3A_65] : memref<1024x16xf32, #tpu.memory_space<vmem>> -> memref<128x16xf32, #tpu.memory_space<vmem>>
      %dma_start3A_67 = arith.constant 640 : i32
      %dma_start3A_68 = tpu.memref_slice %arg6[%dma_start3A_67] : memref<1024xi32, #tpu.memory_space<vmem>> -> memref<128xi32, #tpu.memory_space<vmem>>
      %dma_start3A_69 = arith.constant 0 : i32
      %dma_start3A_70 = arith.constant 0 : i32
      %dma_start3A_71 = tpu.memref_slice %arg3[%dma_start3A_69, %dma_start3A_70] : memref<2600832x16xf32, #tpu.memory_space<hbm>> -> memref<2600832x16xf32, #tpu.memory_space<hbm>>
      tpu.enqueue_indirect_dma source(%dma_start3A_71 : memref<2600832x16xf32, #tpu.memory_space<hbm>>) target(%dma_start3A_66 : memref<128x16xf32, #tpu.memory_space<vmem>>) offsets(%dma_start3A_68 : memref<128xi32, #tpu.memory_space<vmem>>) semaphore(%arg8 : memref<!tpu.dma_semaphore, #tpu.memory_space<semaphore_mem>>)
      %dma_start3A_72 = arith.constant 768 : i32
      %dma_start3A_73 = arith.constant 0 : i32
      %dma_start3A_74 = tpu.memref_slice %arg7[%dma_start3A_72, %dma_start3A_73] : memref<1024x16xf32, #tpu.memory_space<vmem>> -> memref<128x16xf32, #tpu.memory_space<vmem>>
      %dma_start3A_75 = arith.constant 768 : i32
      %dma_start3A_76 = tpu.memref_slice %arg6[%dma_start3A_75] : memref<1024xi32, #tpu.memory_space<vmem>> -> memref<128xi32, #tpu.memory_space<vmem>>
      %dma_start3A_77 = arith.constant 0 : i32
      %dma_start3A_78 = arith.constant 0 : i32
      %dma_start3A_79 = tpu.memref_slice %arg3[%dma_start3A_77, %dma_start3A_78] : memref<2600832x16xf32, #tpu.memory_space<hbm>> -> memref<2600832x16xf32, #tpu.memory_space<hbm>>
      tpu.enqueue_indirect_dma source(%dma_start3A_79 : memref<2600832x16xf32, #tpu.memory_space<hbm>>) target(%dma_start3A_74 : memref<128x16xf32, #tpu.memory_space<vmem>>) offsets(%dma_start3A_76 : memref<128xi32, #tpu.memory_space<vmem>>) semaphore(%arg8 : memref<!tpu.dma_semaphore, #tpu.memory_space<semaphore_mem>>)
      %dma_start3A_80 = arith.constant 896 : i32
      %dma_start3A_81 = arith.constant 0 : i32
      %dma_start3A_82 = tpu.memref_slice %arg7[%dma_start3A_80, %dma_start3A_81] : memref<1024x16xf32, #tpu.memory_space<vmem>> -> memref<128x16xf32, #tpu.memory_space<vmem>>
      %dma_start3A_83 = arith.constant 896 : i32
      %dma_start3A_84 = tpu.memref_slice %arg6[%dma_start3A_83] : memref<1024xi32, #tpu.memory_space<vmem>> -> memref<128xi32, #tpu.memory_space<vmem>>
      %dma_start3A_85 = arith.constant 0 : i32
      %dma_start3A_86 = arith.constant 0 : i32
      %dma_start3A_87 = tpu.memref_slice %arg3[%dma_start3A_85, %dma_start3A_86] : memref<2600832x16xf32, #tpu.memory_space<hbm>> -> memref<2600832x16xf32, #tpu.memory_space<hbm>>
      tpu.enqueue_indirect_dma source(%dma_start3A_87 : memref<2600832x16xf32, #tpu.memory_space<hbm>>) target(%dma_start3A_82 : memref<128x16xf32, #tpu.memory_space<vmem>>) offsets(%dma_start3A_84 : memref<128xi32, #tpu.memory_space<vmem>>) semaphore(%arg8 : memref<!tpu.dma_semaphore, #tpu.memory_space<semaphore_mem>>)
      %dma_wait3A = arith.constant 0 : i32
      %dma_wait3A_88 = arith.constant 0 : i32
      %dma_wait3A_89 = tpu.memref_slice %arg7[%dma_wait3A, %dma_wait3A_88] : memref<1024x16xf32, #tpu.memory_space<vmem>> -> memref<128x16xf32, #tpu.memory_space<vmem>>
      %dma_wait3A_90 = arith.constant 0 : i32
      %dma_wait3A_91 = tpu.memref_slice %arg6[%dma_wait3A_90] : memref<1024xi32, #tpu.memory_space<vmem>> -> memref<128xi32, #tpu.memory_space<vmem>>
      %dma_wait3A_92 = arith.constant 0 : i32
      %dma_wait3A_93 = arith.constant 0 : i32
      %dma_wait3A_94 = tpu.memref_slice %arg3[%dma_wait3A_92, %dma_wait3A_93] : memref<2600832x16xf32, #tpu.memory_space<hbm>> -> memref<2600832x16xf32, #tpu.memory_space<hbm>>
      tpu.wait_indirect_dma semaphore(%arg8 : memref<!tpu.dma_semaphore, #tpu.memory_space<semaphore_mem>>) src(%dma_wait3A_94 : memref<2600832x16xf32, #tpu.memory_space<hbm>>) dst(%dma_wait3A_89 : memref<128x16xf32, #tpu.memory_space<vmem>>)
      %dma_wait3A_95 = arith.constant 128 : i32
      %dma_wait3A_96 = arith.constant 0 : i32
      %dma_wait3A_97 = tpu.memref_slice %arg7[%dma_wait3A_95, %dma_wait3A_96] : memref<1024x16xf32, #tpu.memory_space<vmem>> -> memref<128x16xf32, #tpu.memory_space<vmem>>
      %dma_wait3A_98 = arith.constant 128 : i32
      %dma_wait3A_99 = tpu.memref_slice %arg6[%dma_wait3A_98] : memref<1024xi32, #tpu.memory_space<vmem>> -> memref<128xi32, #tpu.memory_space<vmem>>
      %dma_wait3A_100 = arith.constant 0 : i32
      %dma_wait3A_101 = arith.constant 0 : i32
      %dma_wait3A_102 = tpu.memref_slice %arg3[%dma_wait3A_100, %dma_wait3A_101] : memref<2600832x16xf32, #tpu.memory_space<hbm>> -> memref<2600832x16xf32, #tpu.memory_space<hbm>>
      tpu.wait_indirect_dma semaphore(%arg8 : memref<!tpu.dma_semaphore, #tpu.memory_space<semaphore_mem>>) src(%dma_wait3A_102 : memref<2600832x16xf32, #tpu.memory_space<hbm>>) dst(%dma_wait3A_97 : memref<128x16xf32, #tpu.memory_space<vmem>>)
      %dma_wait3A_103 = arith.constant 256 : i32
      %dma_wait3A_104 = arith.constant 0 : i32
      %dma_wait3A_105 = tpu.memref_slice %arg7[%dma_wait3A_103, %dma_wait3A_104] : memref<1024x16xf32, #tpu.memory_space<vmem>> -> memref<128x16xf32, #tpu.memory_space<vmem>>
      %dma_wait3A_106 = arith.constant 256 : i32
      %dma_wait3A_107 = tpu.memref_slice %arg6[%dma_wait3A_106] : memref<1024xi32, #tpu.memory_space<vmem>> -> memref<128xi32, #tpu.memory_space<vmem>>
      %dma_wait3A_108 = arith.constant 0 : i32
      %dma_wait3A_109 = arith.constant 0 : i32
      %dma_wait3A_110 = tpu.memref_slice %arg3[%dma_wait3A_108, %dma_wait3A_109] : memref<2600832x16xf32, #tpu.memory_space<hbm>> -> memref<2600832x16xf32, #tpu.memory_space<hbm>>
      tpu.wait_indirect_dma semaphore(%arg8 : memref<!tpu.dma_semaphore, #tpu.memory_space<semaphore_mem>>) src(%dma_wait3A_110 : memref<2600832x16xf32, #tpu.memory_space<hbm>>) dst(%dma_wait3A_105 : memref<128x16xf32, #tpu.memory_space<vmem>>)
      %dma_wait3A_111 = arith.constant 384 : i32
      %dma_wait3A_112 = arith.constant 0 : i32
      %dma_wait3A_113 = tpu.memref_slice %arg7[%dma_wait3A_111, %dma_wait3A_112] : memref<1024x16xf32, #tpu.memory_space<vmem>> -> memref<128x16xf32, #tpu.memory_space<vmem>>
      %dma_wait3A_114 = arith.constant 384 : i32
      %dma_wait3A_115 = tpu.memref_slice %arg6[%dma_wait3A_114] : memref<1024xi32, #tpu.memory_space<vmem>> -> memref<128xi32, #tpu.memory_space<vmem>>
      %dma_wait3A_116 = arith.constant 0 : i32
      %dma_wait3A_117 = arith.constant 0 : i32
      %dma_wait3A_118 = tpu.memref_slice %arg3[%dma_wait3A_116, %dma_wait3A_117] : memref<2600832x16xf32, #tpu.memory_space<hbm>> -> memref<2600832x16xf32, #tpu.memory_space<hbm>>
      tpu.wait_indirect_dma semaphore(%arg8 : memref<!tpu.dma_semaphore, #tpu.memory_space<semaphore_mem>>) src(%dma_wait3A_118 : memref<2600832x16xf32, #tpu.memory_space<hbm>>) dst(%dma_wait3A_113 : memref<128x16xf32, #tpu.memory_space<vmem>>)
      %dma_wait3A_119 = arith.constant 512 : i32
      %dma_wait3A_120 = arith.constant 0 : i32
      %dma_wait3A_121 = tpu.memref_slice %arg7[%dma_wait3A_119, %dma_wait3A_120] : memref<1024x16xf32, #tpu.memory_space<vmem>> -> memref<128x16xf32, #tpu.memory_space<vmem>>
      %dma_wait3A_122 = arith.constant 512 : i32
      %dma_wait3A_123 = tpu.memref_slice %arg6[%dma_wait3A_122] : memref<1024xi32, #tpu.memory_space<vmem>> -> memref<128xi32, #tpu.memory_space<vmem>>
      %dma_wait3A_124 = arith.constant 0 : i32
      %dma_wait3A_125 = arith.constant 0 : i32
      %dma_wait3A_126 = tpu.memref_slice %arg3[%dma_wait3A_124, %dma_wait3A_125] : memref<2600832x16xf32, #tpu.memory_space<hbm>> -> memref<2600832x16xf32, #tpu.memory_space<hbm>>
      tpu.wait_indirect_dma semaphore(%arg8 : memref<!tpu.dma_semaphore, #tpu.memory_space<semaphore_mem>>) src(%dma_wait3A_126 : memref<2600832x16xf32, #tpu.memory_space<hbm>>) dst(%dma_wait3A_121 : memref<128x16xf32, #tpu.memory_space<vmem>>)
      %dma_wait3A_127 = arith.constant 640 : i32
      %dma_wait3A_128 = arith.constant 0 : i32
      %dma_wait3A_129 = tpu.memref_slice %arg7[%dma_wait3A_127, %dma_wait3A_128] : memref<1024x16xf32, #tpu.memory_space<vmem>> -> memref<128x16xf32, #tpu.memory_space<vmem>>
      %dma_wait3A_130 = arith.constant 640 : i32
      %dma_wait3A_131 = tpu.memref_slice %arg6[%dma_wait3A_130] : memref<1024xi32, #tpu.memory_space<vmem>> -> memref<128xi32, #tpu.memory_space<vmem>>
      %dma_wait3A_132 = arith.constant 0 : i32
      %dma_wait3A_133 = arith.constant 0 : i32
      %dma_wait3A_134 = tpu.memref_slice %arg3[%dma_wait3A_132, %dma_wait3A_133] : memref<2600832x16xf32, #tpu.memory_space<hbm>> -> memref<2600832x16xf32, #tpu.memory_space<hbm>>
      tpu.wait_indirect_dma semaphore(%arg8 : memref<!tpu.dma_semaphore, #tpu.memory_space<semaphore_mem>>) src(%dma_wait3A_134 : memref<2600832x16xf32, #tpu.memory_space<hbm>>) dst(%dma_wait3A_129 : memref<128x16xf32, #tpu.memory_space<vmem>>)
      %dma_wait3A_135 = arith.constant 768 : i32
      %dma_wait3A_136 = arith.constant 0 : i32
      %dma_wait3A_137 = tpu.memref_slice %arg7[%dma_wait3A_135, %dma_wait3A_136] : memref<1024x16xf32, #tpu.memory_space<vmem>> -> memref<128x16xf32, #tpu.memory_space<vmem>>
      %dma_wait3A_138 = arith.constant 768 : i32
      %dma_wait3A_139 = tpu.memref_slice %arg6[%dma_wait3A_138] : memref<1024xi32, #tpu.memory_space<vmem>> -> memref<128xi32, #tpu.memory_space<vmem>>
      %dma_wait3A_140 = arith.constant 0 : i32
      %dma_wait3A_141 = arith.constant 0 : i32
      %dma_wait3A_142 = tpu.memref_slice %arg3[%dma_wait3A_140, %dma_wait3A_141] : memref<2600832x16xf32, #tpu.memory_space<hbm>> -> memref<2600832x16xf32, #tpu.memory_space<hbm>>
      tpu.wait_indirect_dma semaphore(%arg8 : memref<!tpu.dma_semaphore, #tpu.memory_space<semaphore_mem>>) src(%dma_wait3A_142 : memref<2600832x16xf32, #tpu.memory_space<hbm>>) dst(%dma_wait3A_137 : memref<128x16xf32, #tpu.memory_space<vmem>>)
      %dma_wait3A_143 = arith.constant 896 : i32
      %dma_wait3A_144 = arith.constant 0 : i32
      %dma_wait3A_145 = tpu.memref_slice %arg7[%dma_wait3A_143, %dma_wait3A_144] : memref<1024x16xf32, #tpu.memory_space<vmem>> -> memref<128x16xf32, #tpu.memory_space<vmem>>
      %dma_wait3A_146 = arith.constant 896 : i32
      %dma_wait3A_147 = tpu.memref_slice %arg6[%dma_wait3A_146] : memref<1024xi32, #tpu.memory_space<vmem>> -> memref<128xi32, #tpu.memory_space<vmem>>
      %dma_wait3A_148 = arith.constant 0 : i32
      %dma_wait3A_149 = arith.constant 0 : i32
      %dma_wait3A_150 = tpu.memref_slice %arg3[%dma_wait3A_148, %dma_wait3A_149] : memref<2600832x16xf32, #tpu.memory_space<hbm>> -> memref<2600832x16xf32, #tpu.memory_space<hbm>>
      tpu.wait_indirect_dma semaphore(%arg8 : memref<!tpu.dma_semaphore, #tpu.memory_space<semaphore_mem>>) src(%dma_wait3A_150 : memref<2600832x16xf32, #tpu.memory_space<hbm>>) dst(%dma_wait3A_145 : memref<128x16xf32, #tpu.memory_space<vmem>>)
      "tpu.region"() ({
        %run_scoped3A = tpu.sem_alloc : memref<!tpu.dma_semaphore, #tpu.memory_space<semaphore_mem>>
        %dma_start3A_151 = arith.constant 0 : i32
        %dma_start3A_152 = tpu.memref_slice %arg4[%add3A_11, %dma_start3A_151] : memref<2621440x16xf32, #tpu.memory_space<hbm>> -> memref<1024x16xf32, #tpu.memory_space<hbm>>
        %dma_start3A_153 = arith.constant 0 : i32
        %dma_start3A_154 = tpu.memref_slice %arg4[%add3A_11, %dma_start3A_153] : memref<2621440x16xf32, #tpu.memory_space<hbm>> -> memref<1024x16xf32, #tpu.memory_space<hbm>>
        tpu.enqueue_dma source(%arg7 : memref<1024x16xf32, #tpu.memory_space<vmem>>) target(%dma_start3A_154 : memref<1024x16xf32, #tpu.memory_space<hbm>>) target_semaphore(%run_scoped3A : memref<!tpu.dma_semaphore, #tpu.memory_space<semaphore_mem>>)
        %dma_wait3A_155 = arith.constant 0 : i32
        %dma_wait3A_156 = tpu.memref_slice %arg4[%add3A_11, %dma_wait3A_155] : memref<2621440x16xf32, #tpu.memory_space<hbm>> -> memref<1024x16xf32, #tpu.memory_space<hbm>>
        %dma_wait3A_157 = arith.constant 0 : i32
        %dma_wait3A_158 = tpu.memref_slice %arg4[%add3A_11, %dma_wait3A_157] : memref<2621440x16xf32, #tpu.memory_space<hbm>> -> memref<1024x16xf32, #tpu.memory_space<hbm>>
        tpu.wait_dma2 semaphore(%run_scoped3A : memref<!tpu.dma_semaphore, #tpu.memory_space<semaphore_mem>>) src(%arg7 : memref<1024x16xf32, #tpu.memory_space<vmem>>) dst(%dma_wait3A_158 : memref<1024x16xf32, #tpu.memory_space<hbm>>)
        tpu.yield
      }) : () -> ()
    }
    %scan3A_5 = arith.constant 80 : i32
    return
  }
}

module attributes {stable_mosaic.version = 14 : i64} {
  func.func @body(%arg0: i32, %arg1: i32, %arg2: memref<1x16x2048xf32, #tpu.memory_space<vmem>>, %arg3: memref<1x256x128xf32, #tpu.memory_space<vmem>>) attributes {dimension_semantics = [#tpu.dimension_semantics<arbitrary>, #tpu.dimension_semantics<arbitrary>], iteration_bounds = array<i64: 26, 49>, scalar_prefetch = 0 : i64, scratch_operands = 0 : i64, tpu.core_type = #tpu.core_type<tc>, window_params = [{transform_indices = @transform_0, window_bounds = array<i64: 1, 16, 2048>}, {transform_indices = @transform_1, window_bounds = array<i64: 1, 256, 128>}]} {
    %get3A = arith.constant 0 : index
    %get3A_0 = arith.constant 0 : index
    %get3A_1 = arith.constant 0 : index
    %get3A_2 = vector.load %arg2[%get3A, %get3A_0, %get3A_1] : memref<1x16x2048xf32, #tpu.memory_space<vmem>>, vector<1x16x2048xf32>
    %get3A_3 = vector.shape_cast %get3A_2 : vector<1x16x2048xf32> to vector<16x2048xf32>
    %transpose3A = tpu.transpose %get3A_3, [1, 0] : vector<16x2048xf32> -> vector<2048x16xf32>
    %reshape3A = vector.shape_cast %transpose3A : vector<2048x16xf32> to vector<256x8x16xf32>
    %slice3A = vector.extract_strided_slice %reshape3A {offsets = [0, 0, 0], sizes = [256, 1, 16], strides = [1, 1, 1]} : vector<256x8x16xf32> to vector<256x1x16xf32>
    %squeeze3A = vector.shape_cast %slice3A : vector<256x1x16xf32> to vector<256x16xf32>
    %swap3A = arith.constant 0 : index
    %swap3A_4 = arith.constant 0 : index
    %swap3A_5 = arith.constant 0 : index
    %swap3A_6 = vector.load %arg3[%swap3A, %swap3A_4, %swap3A_5] : memref<1x256x128xf32, #tpu.memory_space<vmem>>, vector<1x256x16xf32>
    %swap3A_7 = vector.shape_cast %swap3A_6 : vector<1x256x16xf32> to vector<256x16xf32>
    %swap3A_8 = vector.shape_cast %squeeze3A : vector<256x16xf32> to vector<1x256x16xf32>
    tpu.vector_store %arg3[%swap3A, %swap3A_4, %swap3A_5], %swap3A_8 {strides = array<i32>} : memref<1x256x128xf32, #tpu.memory_space<vmem>>, vector<1x256x16xf32>,
    %slice3A_9 = vector.extract_strided_slice %reshape3A {offsets = [0, 1, 0], sizes = [256, 1, 16], strides = [1, 1, 1]} : vector<256x8x16xf32> to vector<256x1x16xf32>
    %squeeze3A_10 = vector.shape_cast %slice3A_9 : vector<256x1x16xf32> to vector<256x16xf32>
    %swap3A_11 = arith.constant 0 : index
    %swap3A_12 = arith.constant 0 : index
    %swap3A_13 = arith.constant 16 : index
    %swap3A_14 = vector.load %arg3[%swap3A_11, %swap3A_12, %swap3A_13] : memref<1x256x128xf32, #tpu.memory_space<vmem>>, vector<1x256x16xf32>
    %swap3A_15 = vector.shape_cast %swap3A_14 : vector<1x256x16xf32> to vector<256x16xf32>
    %swap3A_16 = vector.shape_cast %squeeze3A_10 : vector<256x16xf32> to vector<1x256x16xf32>
    tpu.vector_store %arg3[%swap3A_11, %swap3A_12, %swap3A_13], %swap3A_16 {strides = array<i32>} : memref<1x256x128xf32, #tpu.memory_space<vmem>>, vector<1x256x16xf32>,
    %slice3A_17 = vector.extract_strided_slice %reshape3A {offsets = [0, 2, 0], sizes = [256, 1, 16], strides = [1, 1, 1]} : vector<256x8x16xf32> to vector<256x1x16xf32>
    %squeeze3A_18 = vector.shape_cast %slice3A_17 : vector<256x1x16xf32> to vector<256x16xf32>
    %swap3A_19 = arith.constant 0 : index
    %swap3A_20 = arith.constant 0 : index
    %swap3A_21 = arith.constant 32 : index
    %swap3A_22 = vector.load %arg3[%swap3A_19, %swap3A_20, %swap3A_21] : memref<1x256x128xf32, #tpu.memory_space<vmem>>, vector<1x256x16xf32>
    %swap3A_23 = vector.shape_cast %swap3A_22 : vector<1x256x16xf32> to vector<256x16xf32>
    %swap3A_24 = vector.shape_cast %squeeze3A_18 : vector<256x16xf32> to vector<1x256x16xf32>
    tpu.vector_store %arg3[%swap3A_19, %swap3A_20, %swap3A_21], %swap3A_24 {strides = array<i32>} : memref<1x256x128xf32, #tpu.memory_space<vmem>>, vector<1x256x16xf32>,
    %slice3A_25 = vector.extract_strided_slice %reshape3A {offsets = [0, 3, 0], sizes = [256, 1, 16], strides = [1, 1, 1]} : vector<256x8x16xf32> to vector<256x1x16xf32>
    %squeeze3A_26 = vector.shape_cast %slice3A_25 : vector<256x1x16xf32> to vector<256x16xf32>
    %swap3A_27 = arith.constant 0 : index
    %swap3A_28 = arith.constant 0 : index
    %swap3A_29 = arith.constant 48 : index
    %swap3A_30 = vector.load %arg3[%swap3A_27, %swap3A_28, %swap3A_29] : memref<1x256x128xf32, #tpu.memory_space<vmem>>, vector<1x256x16xf32>
    %swap3A_31 = vector.shape_cast %swap3A_30 : vector<1x256x16xf32> to vector<256x16xf32>
    %swap3A_32 = vector.shape_cast %squeeze3A_26 : vector<256x16xf32> to vector<1x256x16xf32>
    tpu.vector_store %arg3[%swap3A_27, %swap3A_28, %swap3A_29], %swap3A_32 {strides = array<i32>} : memref<1x256x128xf32, #tpu.memory_space<vmem>>, vector<1x256x16xf32>,
    %slice3A_33 = vector.extract_strided_slice %reshape3A {offsets = [0, 4, 0], sizes = [256, 1, 16], strides = [1, 1, 1]} : vector<256x8x16xf32> to vector<256x1x16xf32>
    %squeeze3A_34 = vector.shape_cast %slice3A_33 : vector<256x1x16xf32> to vector<256x16xf32>
    %swap3A_35 = arith.constant 0 : index
    %swap3A_36 = arith.constant 0 : index
    %swap3A_37 = arith.constant 64 : index
    %swap3A_38 = vector.load %arg3[%swap3A_35, %swap3A_36, %swap3A_37] : memref<1x256x128xf32, #tpu.memory_space<vmem>>, vector<1x256x16xf32>
    %swap3A_39 = vector.shape_cast %swap3A_38 : vector<1x256x16xf32> to vector<256x16xf32>
    %swap3A_40 = vector.shape_cast %squeeze3A_34 : vector<256x16xf32> to vector<1x256x16xf32>
    tpu.vector_store %arg3[%swap3A_35, %swap3A_36, %swap3A_37], %swap3A_40 {strides = array<i32>} : memref<1x256x128xf32, #tpu.memory_space<vmem>>, vector<1x256x16xf32>,
    %slice3A_41 = vector.extract_strided_slice %reshape3A {offsets = [0, 5, 0], sizes = [256, 1, 16], strides = [1, 1, 1]} : vector<256x8x16xf32> to vector<256x1x16xf32>
    %squeeze3A_42 = vector.shape_cast %slice3A_41 : vector<256x1x16xf32> to vector<256x16xf32>
    %swap3A_43 = arith.constant 0 : index
    %swap3A_44 = arith.constant 0 : index
    %swap3A_45 = arith.constant 80 : index
    %swap3A_46 = vector.load %arg3[%swap3A_43, %swap3A_44, %swap3A_45] : memref<1x256x128xf32, #tpu.memory_space<vmem>>, vector<1x256x16xf32>
    %swap3A_47 = vector.shape_cast %swap3A_46 : vector<1x256x16xf32> to vector<256x16xf32>
    %swap3A_48 = vector.shape_cast %squeeze3A_42 : vector<256x16xf32> to vector<1x256x16xf32>
    tpu.vector_store %arg3[%swap3A_43, %swap3A_44, %swap3A_45], %swap3A_48 {strides = array<i32>} : memref<1x256x128xf32, #tpu.memory_space<vmem>>, vector<1x256x16xf32>,
    %slice3A_49 = vector.extract_strided_slice %reshape3A {offsets = [0, 6, 0], sizes = [256, 1, 16], strides = [1, 1, 1]} : vector<256x8x16xf32> to vector<256x1x16xf32>
    %squeeze3A_50 = vector.shape_cast %slice3A_49 : vector<256x1x16xf32> to vector<256x16xf32>
    %swap3A_51 = arith.constant 0 : index
    %swap3A_52 = arith.constant 0 : index
    %swap3A_53 = arith.constant 96 : index
    %swap3A_54 = vector.load %arg3[%swap3A_51, %swap3A_52, %swap3A_53] : memref<1x256x128xf32, #tpu.memory_space<vmem>>, vector<1x256x16xf32>
    %swap3A_55 = vector.shape_cast %swap3A_54 : vector<1x256x16xf32> to vector<256x16xf32>
    %swap3A_56 = vector.shape_cast %squeeze3A_50 : vector<256x16xf32> to vector<1x256x16xf32>
    tpu.vector_store %arg3[%swap3A_51, %swap3A_52, %swap3A_53], %swap3A_56 {strides = array<i32>} : memref<1x256x128xf32, #tpu.memory_space<vmem>>, vector<1x256x16xf32>,
    %slice3A_57 = vector.extract_strided_slice %reshape3A {offsets = [0, 7, 0], sizes = [256, 1, 16], strides = [1, 1, 1]} : vector<256x8x16xf32> to vector<256x1x16xf32>
    %squeeze3A_58 = vector.shape_cast %slice3A_57 : vector<256x1x16xf32> to vector<256x16xf32>
    %swap3A_59 = arith.constant 0 : index
    %swap3A_60 = arith.constant 0 : index
    %swap3A_61 = arith.constant 112 : index
    %swap3A_62 = vector.load %arg3[%swap3A_59, %swap3A_60, %swap3A_61] : memref<1x256x128xf32, #tpu.memory_space<vmem>>, vector<1x256x16xf32>
    %swap3A_63 = vector.shape_cast %swap3A_62 : vector<1x256x16xf32> to vector<256x16xf32>
    %swap3A_64 = vector.shape_cast %squeeze3A_58 : vector<256x16xf32> to vector<1x256x16xf32>
    tpu.vector_store %arg3[%swap3A_59, %swap3A_60, %swap3A_61], %swap3A_64 {strides = array<i32>} : memref<1x256x128xf32, #tpu.memory_space<vmem>>, vector<1x256x16xf32>,
    return
  }
  func.func @transform_0(%arg0: i32, %arg1: i32) -> (i32, i32, i32) {
    %c0_i32 = arith.constant 0 : i32
    %c0_i32_0 = arith.constant 0 : i32
    return %arg0, %c0_i32, %arg1 : i32, i32, i32
  }
  func.func @transform_1(%arg0: i32, %arg1: i32) -> (i32, i32, i32) {
    %c0_i32 = arith.constant 0 : i32
    %c0_i32_0 = arith.constant 0 : i32
    return %arg0, %arg1, %c0_i32 : i32, i32, i32
  }
}

module attributes {stable_mosaic.version = 14 : i64} {
  func.func @body(%arg0: i32, %arg1: i32, %arg2: memref<128x4x8x128xf32, #tpu.memory_space<vmem>>, %arg3: memref<1x1024x13xf32, #tpu.memory_space<vmem>>, %arg4: memref<4x128x128xf32, #tpu.memory_space<vmem>>, %arg5: memref<13x16xf32, #tpu.memory_space<vmem>>, %arg6: memref<1x16xf32, #tpu.memory_space<vmem>>, %arg7: memref<16x128xf32, #tpu.memory_space<vmem>>, %arg8: memref<1x128xf32, #tpu.memory_space<vmem>>, %arg9: memref<1x1024x128xf32, #tpu.memory_space<vmem>>) attributes {dimension_semantics = [#tpu.dimension_semantics<arbitrary>, #tpu.dimension_semantics<arbitrary>], iteration_bounds = array<i64: 20, 4>, scalar_prefetch = 0 : i64, scratch_operands = 0 : i64, tpu.core_type = #tpu.core_type<tc>, window_params = [{transform_indices = @transform_0, window_bounds = array<i64: 128, 4, 8, 128>}, {transform_indices = @transform_1, window_bounds = array<i64: 1, 1024, 13>}, {pipeline_mode = #tpu.pipeline_mode<synchronous>, transform_indices = @transform_2, window_bounds = array<i64: 4, 128, 128>}, {pipeline_mode = #tpu.pipeline_mode<synchronous>, transform_indices = @transform_3, window_bounds = array<i64: 13, 16>}, {pipeline_mode = #tpu.pipeline_mode<synchronous>, transform_indices = @transform_4, window_bounds = array<i64: 1, 16>}, {pipeline_mode = #tpu.pipeline_mode<synchronous>, transform_indices = @transform_5, window_bounds = array<i64: 16, 128>}, {pipeline_mode = #tpu.pipeline_mode<synchronous>, transform_indices = @transform_6, window_bounds = array<i64: 1, 128>}, {transform_indices = @transform_7, window_bounds = array<i64: 1, 1024, 128>}]} {
    %get3A = arith.constant 0 : index
    %get3A_0 = arith.constant 0 : index
    %get3A_1 = arith.constant 0 : index
    %get3A_2 = vector.load %arg3[%get3A, %get3A_0, %get3A_1] : memref<1x1024x13xf32, #tpu.memory_space<vmem>>, vector<1x1024x13xf32>
    %reshape3A = vector.shape_cast %get3A_2 : vector<1x1024x13xf32> to vector<1024x13xf32>
    %get3A_3 = arith.constant 0 : index
    %get3A_4 = arith.constant 0 : index
    %get3A_5 = vector.load %arg5[%get3A_3, %get3A_4] : memref<13x16xf32, #tpu.memory_space<vmem>>, vector<13x16xf32>
    %dot_general3A = arith.constant dense<0.000000e+00> : vector<1024x16xf32>
    %dot_general3A_6 = tpu.matmul %reshape3A, %get3A_5, %dot_general3A {dimension_numbers = #tpu.dot_dimension_numbers<[1], [0], [0], [1], [0, 0, 1, 1], [], []>, transpose_lhs_hint = false} : vector<1024x13xf32>, vector<13x16xf32>, vector<1024x16xf32> -> vector<1024x16xf32>
    %get3A_7 = arith.constant 0 : index
    %get3A_8 = arith.constant 0 : index
    %get3A_9 = vector.load %arg6[%get3A_7, %get3A_8] : memref<1x16xf32, #tpu.memory_space<vmem>>, vector<1x16xf32>
    %add3A = vector.broadcast %get3A_9 : vector<1x16xf32> to vector<1024x16xf32>
    %add3A_10 = arith.addf %dot_general3A_6, %add3A : vector<1024x16xf32>
    %get3A_11 = arith.constant 0 : index
    %get3A_12 = arith.constant 0 : index
    %get3A_13 = vector.load %arg7[%get3A_11, %get3A_12] : memref<16x128xf32, #tpu.memory_space<vmem>>, vector<16x128xf32>
    %dot_general3A_14 = arith.constant dense<0.000000e+00> : vector<1024x128xf32>
    %dot_general3A_15 = tpu.matmul %add3A_10, %get3A_13, %dot_general3A_14 {dimension_numbers = #tpu.dot_dimension_numbers<[1], [0], [0], [1], [0, 0, 1, 1], [], []>, transpose_lhs_hint = false} : vector<1024x16xf32>, vector<16x128xf32>, vector<1024x128xf32> -> vector<1024x128xf32>
    %get3A_16 = arith.constant 0 : index
    %get3A_17 = arith.constant 0 : index
    %get3A_18 = vector.load %arg8[%get3A_16, %get3A_17] : memref<1x128xf32, #tpu.memory_space<vmem>>, vector<1x128xf32>
    %add3A_19 = vector.broadcast %get3A_18 : vector<1x128xf32> to vector<1024x128xf32>
    %add3A_20 = arith.addf %dot_general3A_15, %add3A_19 : vector<1024x128xf32>
    %get3A_21 = arith.constant 0 : index
    %get3A_22 = arith.constant 0 : index
    %get3A_23 = arith.constant 0 : index
    %get3A_24 = arith.constant 0 : index
    %get3A_25 = vector.load %arg2[%get3A_21, %get3A_22, %get3A_23, %get3A_24] : memref<128x4x8x128xf32, #tpu.memory_space<vmem>>, vector<128x1x8x128xf32>
    %get3A_26 = vector.shape_cast %get3A_25 : vector<128x1x8x128xf32> to vector<128x8x128xf32>
    %reshape3A_27 = vector.shape_cast %get3A_26 : vector<128x8x128xf32> to vector<1024x128xf32>
    %get3A_28 = arith.constant 0 : index
    %get3A_29 = arith.constant 0 : index
    %get3A_30 = arith.constant 0 : index
    %get3A_31 = vector.load %arg4[%get3A_28, %get3A_29, %get3A_30] : memref<4x128x128xf32, #tpu.memory_space<vmem>>, vector<1x128x128xf32>
    %get3A_32 = vector.shape_cast %get3A_31 : vector<1x128x128xf32> to vector<128x128xf32>
    %dot_general3A_33 = arith.constant dense<0.000000e+00> : vector<1024x128xf32>
    %dot_general3A_34 = tpu.matmul %reshape3A_27, %get3A_32, %dot_general3A_33 {dimension_numbers = #tpu.dot_dimension_numbers<[1], [0], [0], [1], [0, 0, 1, 1], [], []>, transpose_lhs_hint = false} : vector<1024x128xf32>, vector<128x128xf32>, vector<1024x128xf32> -> vector<1024x128xf32>
    %add3A_35 = arith.addf %add3A_20, %dot_general3A_34 : vector<1024x128xf32>
    %get3A_36 = arith.constant 0 : index
    %get3A_37 = arith.constant 1 : index
    %get3A_38 = arith.constant 0 : index
    %get3A_39 = arith.constant 0 : index
    %get3A_40 = vector.load %arg2[%get3A_36, %get3A_37, %get3A_38, %get3A_39] : memref<128x4x8x128xf32, #tpu.memory_space<vmem>>, vector<128x1x8x128xf32>
    %get3A_41 = vector.shape_cast %get3A_40 : vector<128x1x8x128xf32> to vector<128x8x128xf32>
    %reshape3A_42 = vector.shape_cast %get3A_41 : vector<128x8x128xf32> to vector<1024x128xf32>
    %get3A_43 = arith.constant 1 : index
    %get3A_44 = arith.constant 0 : index
    %get3A_45 = arith.constant 0 : index
    %get3A_46 = vector.load %arg4[%get3A_43, %get3A_44, %get3A_45] : memref<4x128x128xf32, #tpu.memory_space<vmem>>, vector<1x128x128xf32>
    %get3A_47 = vector.shape_cast %get3A_46 : vector<1x128x128xf32> to vector<128x128xf32>
    %dot_general3A_48 = arith.constant dense<0.000000e+00> : vector<1024x128xf32>
    %dot_general3A_49 = tpu.matmul %reshape3A_42, %get3A_47, %dot_general3A_48 {dimension_numbers = #tpu.dot_dimension_numbers<[1], [0], [0], [1], [0, 0, 1, 1], [], []>, transpose_lhs_hint = false} : vector<1024x128xf32>, vector<128x128xf32>, vector<1024x128xf32> -> vector<1024x128xf32>
    %add3A_50 = arith.addf %add3A_35, %dot_general3A_49 : vector<1024x128xf32>
    %get3A_51 = arith.constant 0 : index
    %get3A_52 = arith.constant 2 : index
    %get3A_53 = arith.constant 0 : index
    %get3A_54 = arith.constant 0 : index
    %get3A_55 = vector.load %arg2[%get3A_51, %get3A_52, %get3A_53, %get3A_54] : memref<128x4x8x128xf32, #tpu.memory_space<vmem>>, vector<128x1x8x128xf32>
    %get3A_56 = vector.shape_cast %get3A_55 : vector<128x1x8x128xf32> to vector<128x8x128xf32>
    %reshape3A_57 = vector.shape_cast %get3A_56 : vector<128x8x128xf32> to vector<1024x128xf32>
    %get3A_58 = arith.constant 2 : index
    %get3A_59 = arith.constant 0 : index
    %get3A_60 = arith.constant 0 : index
    %get3A_61 = vector.load %arg4[%get3A_58, %get3A_59, %get3A_60] : memref<4x128x128xf32, #tpu.memory_space<vmem>>, vector<1x128x128xf32>
    %get3A_62 = vector.shape_cast %get3A_61 : vector<1x128x128xf32> to vector<128x128xf32>
    %dot_general3A_63 = arith.constant dense<0.000000e+00> : vector<1024x128xf32>
    %dot_general3A_64 = tpu.matmul %reshape3A_57, %get3A_62, %dot_general3A_63 {dimension_numbers = #tpu.dot_dimension_numbers<[1], [0], [0], [1], [0, 0, 1, 1], [], []>, transpose_lhs_hint = false} : vector<1024x128xf32>, vector<128x128xf32>, vector<1024x128xf32> -> vector<1024x128xf32>
    %add3A_65 = arith.addf %add3A_50, %dot_general3A_64 : vector<1024x128xf32>
    %get3A_66 = arith.constant 0 : index
    %get3A_67 = arith.constant 3 : index
    %get3A_68 = arith.constant 0 : index
    %get3A_69 = arith.constant 0 : index
    %get3A_70 = vector.load %arg2[%get3A_66, %get3A_67, %get3A_68, %get3A_69] : memref<128x4x8x128xf32, #tpu.memory_space<vmem>>, vector<128x1x8x128xf32>
    %get3A_71 = vector.shape_cast %get3A_70 : vector<128x1x8x128xf32> to vector<128x8x128xf32>
    %reshape3A_72 = vector.shape_cast %get3A_71 : vector<128x8x128xf32> to vector<1024x128xf32>
    %get3A_73 = arith.constant 3 : index
    %get3A_74 = arith.constant 0 : index
    %get3A_75 = arith.constant 0 : index
    %get3A_76 = vector.load %arg4[%get3A_73, %get3A_74, %get3A_75] : memref<4x128x128xf32, #tpu.memory_space<vmem>>, vector<1x128x128xf32>
    %get3A_77 = vector.shape_cast %get3A_76 : vector<1x128x128xf32> to vector<128x128xf32>
    %dot_general3A_78 = arith.constant dense<0.000000e+00> : vector<1024x128xf32>
    %dot_general3A_79 = tpu.matmul %reshape3A_72, %get3A_77, %dot_general3A_78 {dimension_numbers = #tpu.dot_dimension_numbers<[1], [0], [0], [1], [0, 0, 1, 1], [], []>, transpose_lhs_hint = false} : vector<1024x128xf32>, vector<128x128xf32>, vector<1024x128xf32> -> vector<1024x128xf32>
    %add3A_80 = arith.addf %add3A_65, %dot_general3A_79 : vector<1024x128xf32>
    %reshape3A_81 = vector.shape_cast %add3A_80 : vector<1024x128xf32> to vector<1x1024x128xf32>
    %swap3A = arith.constant 0 : index
    %swap3A_82 = arith.constant 0 : index
    %swap3A_83 = arith.constant 0 : index
    %swap3A_84 = vector.load %arg9[%swap3A, %swap3A_82, %swap3A_83] : memref<1x1024x128xf32, #tpu.memory_space<vmem>>, vector<1x1024x128xf32>
    tpu.vector_store %arg9[%swap3A, %swap3A_82, %swap3A_83], %reshape3A_81 {strides = array<i32>} : memref<1x1024x128xf32, #tpu.memory_space<vmem>>, vector<1x1024x128xf32>,
    return
  }
  func.func @transform_0(%arg0: i32, %arg1: i32) -> (i32, i32, i32, i32) {
    %mul3A = arith.constant 4 : i32
    %mul3A_0 = arith.muli %arg0, %mul3A : i32
    %add3A = arith.addi %mul3A_0, %arg1 : i32
    %c0_i32 = arith.constant 0 : i32
    %c0_i32_1 = arith.constant 0 : i32
    %c0_i32_2 = arith.constant 0 : i32
    %c0_i32_3 = arith.constant 0 : i32
    return %add3A, %c0_i32, %c0_i32_1, %c0_i32_2 : i32, i32, i32, i32
  }
  func.func @transform_1(%arg0: i32, %arg1: i32) -> (i32, i32, i32) {
    %c0_i32 = arith.constant 0 : i32
    %c0_i32_0 = arith.constant 0 : i32
    return %arg0, %arg1, %c0_i32 : i32, i32, i32
  }
  func.func @transform_2(%arg0: i32, %arg1: i32) -> (i32, i32, i32) {
    %c0_i32 = arith.constant 0 : i32
    %c0_i32_0 = arith.constant 0 : i32
    %c0_i32_1 = arith.constant 0 : i32
    %c0_i32_2 = arith.constant 0 : i32
    return %c0_i32, %c0_i32_0, %c0_i32_1 : i32, i32, i32
  }
  func.func @transform_3(%arg0: i32, %arg1: i32) -> (i32, i32) {
    %c0_i32 = arith.constant 0 : i32
    %c0_i32_0 = arith.constant 0 : i32
    %c0_i32_1 = arith.constant 0 : i32
    return %c0_i32, %c0_i32_0 : i32, i32
  }
  func.func @transform_4(%arg0: i32, %arg1: i32) -> (i32, i32) {
    %c0_i32 = arith.constant 0 : i32
    %c0_i32_0 = arith.constant 0 : i32
    %c0_i32_1 = arith.constant 0 : i32
    return %c0_i32, %c0_i32_0 : i32, i32
  }
  func.func @transform_5(%arg0: i32, %arg1: i32) -> (i32, i32) {
    %c0_i32 = arith.constant 0 : i32
    %c0_i32_0 = arith.constant 0 : i32
    %c0_i32_1 = arith.constant 0 : i32
    return %c0_i32, %c0_i32_0 : i32, i32
  }
  func.func @transform_6(%arg0: i32, %arg1: i32) -> (i32, i32) {
    %c0_i32 = arith.constant 0 : i32
    %c0_i32_0 = arith.constant 0 : i32
    %c0_i32_1 = arith.constant 0 : i32
    return %c0_i32, %c0_i32_0 : i32, i32
  }
  func.func @transform_7(%arg0: i32, %arg1: i32) -> (i32, i32, i32) {
    %c0_i32 = arith.constant 0 : i32
    %c0_i32_0 = arith.constant 0 : i32
    return %arg0, %arg1, %c0_i32 : i32, i32, i32
  }
}

</mosaic_0001>

<sc_bundles>
// kernel: kernel.5.cloned.1.call-start
scs
__scs_entry_jumppad:
0x0: {  	(pc) =	sbr.rel $0x88, $3  }
0x1: {  	(tag) =	ssettag $0x0;
	lr =	simm.s32 $0x1  }
0x2: {  	[smem:$0x3F9A] =	sst lr;
	_ =	strace $0xD0000000  }
0x3: {  	_ = 	snop  }
0x4: {  	_ = 	snop  }
0x5: {  	_ = 	snop  }
0x6: {  	_ = 	snop  }
0x7: {  	_ = 	snop  }
__scs_overlays_trampoline_lowered:
0x8: {  	[smem:$0x3FA9] =	sst s0  }
0x9: {  	[smem:$0x3FAA] =	sst s1  }
0xa: {  	[smem:$0x3FAB] =	sst s2  }
0xb: {  	[smem:$0x3FAC] =	sst s3  }
0xc: {  	[smem:$0x3FAD] =	sst s4  }
0xd: {  	[smem:$0x3FAE] =	sst s5  }
0xe: {  	[smem:$0x3FAF] =	sst s6  }
0xf: {  	[smem:$0x3FB0] =	sst s7  }
0x10: {  	[smem:$0x3FB1] =	sst s8  }
0x11: {  	[smem:$0x3FB2] =	sst s9;
	s0 =	simm.s32 @!p0 $0x0  }
0x12: {  	s1 =	sld [smem:$0x3F98];
	s0 =	simm.s32 @p0 $0x1  }
0x13: {  	[smem:$0x3FB3] =	sst s0;
	s0 =	simm.s32 @!p1 $0x0  }
0x14: {  	s2 =	sld [smem:$0x3F97];
	s0 =	simm.s32 @p1 $0x1  }
0x15: {  	[smem:$0x3FB4] =	sst s0;
	s0 =	simm.s32 @!p2 $0x0  }
0x16: {  	s3 =	sld [smem:$0x3FDB];
	s0 =	simm.s32 @p2 $0x1  }
0x17: {  	s4 =	simm.s32 $0x1BF5;
	[smem:$0x3FB6] =	sst s0  }
0x18: {  	s0 =	sld [smem:$0x3F99];
	_ =	swait.ge [sflag:s4], $0x0  }
0x19: {  	s7 =	sld [smem:$0x3F9A]  }
0x1a: {  	s8 =	sadd.s32 $0xFFFFE003, lr  }
0x1b: {  	s9 =	sadd.s32 $0xFFFFFEF7, lr;
	s5 =	simm.s32 $0xFFFFFFFF;
	p2 =	slt.u32 s8, $0xFFFFF086  }
0x1c: {  	p1 =	slt.u32 s9, $0xF7A;
	s5 =	simm.s32 @!p2 $0x0  }
0x1d: {  	s5 =	simm.s32 @p1 $0x1;
	p0 =	seq.s32 s7, s2  }
0x1e: {  	s7 =	smul.u32 @!p0 $0xF7A, s2;
	p2 =	seq.s32 @!p0 s5, $0x0  }
0x1f: {  	s9 =	smul.u32 $0xF7A, s1;
	s8 =	simm.s32 @!p0 $0x1BF5;
	p2 =	por !p2, p0  }
0x20: {  	[sflag:s8] =	ssyncset.s32 @!p0 $0xFFFFF086;
	s6 =	sadd.s32 @!p0 s3, s7;
	s7 =	simm.s32 @!p0 $0x108  }
0x21: {  	s3 =	sadd.s32 s3, s9;
	s6 =	sadd.s32 @!p0 $0x88, s6;
	s7 =	simm.s32 @p2 $0x1082  }
0x22: {  	[simem:s7], [sflag:s8] =	dma.local @!p0 [hbm:s6], $0xF7A  }
0x23: {  	s9 =	sor.u32 $0xD0000000, s2;
	s6 =	simm.s32 $0x108;
	_ =	swait.ge @!p0 [sflag:s8], $0x0  }
0x24: {  	s3 =	sadd.s32 $0x88, s3;
	s6 =	simm.s32 @!p1 $0x1082;
	[sflag:s4] =	ssyncset.s32 $0xFFFFF086  }
0x25: {  	[simem:s6], [sflag:s4] =	dma.local [hbm:s3], $0xF7A  }
0x26: {  	[smem:$0x3F9A] =	sst s1;
	(tag) =	ssettag s2;
	_ =	strace s9  }
0x27: {  	s1 =	sld [smem:$0x3FAA]  }
0x28: {  	s2 =	sld [smem:$0x3FAB]  }
0x29: {  	s4 =	sld [smem:$0x3FAD]  }
0x2a: {  	p0 =	seq.s32 s5, $0x0;
	s5 =	sld [smem:$0x3FAE]  }
0x2b: {  	s6 =	sld [smem:$0x3FAF]  }
0x2c: {  	s7 =	sld [smem:$0x3FB0]  }
0x2d: {  	s3 =	simm.s32 $0x108;
	s8 =	sld [smem:$0x3FB1]  }
0x2e: {  	s3 =	simm.s32 @!p0 $0x1082;
	s9 =	sld [smem:$0x3FB2]  }
0x2f: {  	lr =	sadd.s32 s0, s3;
	s0 =	sld [smem:$0x3FA9]  }
0x30: {  	s3 =	sld [smem:$0x3FAC]  }
0x31: {  	[smem:$0x3FB5] =	sst s10  }
0x32: {  	s10 =	sld [smem:$0x3FB3];
	_ =	sdelay $0x3  }
0x33: {  	p0 =	seq.s32 s10, $0x1;
	s10 =	sld [smem:$0x3FB5];
	_ =	sdelay $0x3  }
0x34: {  	[smem:$0x3FB5] =	sst s10  }
0x35: {  	s10 =	sld [smem:$0x3FB4];
	_ =	sdelay $0x3  }
0x36: {  	p1 =	seq.s32 s10, $0x1;
	s10 =	sld [smem:$0x3FB5];
	_ =	sdelay $0x3  }
0x37: {  	[smem:$0x3FB5] =	sst s10  }
0x38: {  	s10 =	sld [smem:$0x3FB6]  }
0x39: {  	_ = 	snop;
	(pc) =	sbr.ind lr, $3  }
0x3a: {  	_ = 	snop  }
0x3b: {  	_ = 	snop  }
0x3c: {  	p2 =	seq.s32 s10, $0x1;
	s10 =	sld [smem:$0x3FB5]  }
0x3d: {  	_ =	shalt  }
0x3e: {  	_ =	shalt  }
0x3f: {  	_ =	shalt  }
0x40: {  	_ =	shalt  }
0x41: {  	_ =	shalt  }
0x42: {  	_ =	shalt  }
0x43: {  	_ =	shalt  }
0x44: {  	_ =	shalt  }
0x45: {  	_ =	shalt  }
0x46: {  	_ =	shalt  }
0x47: {  	_ =	shalt  }
0x48: {  	_ =	shalt  }
0x49: {  	_ =	shalt  }
0x4a: {  	_ =	shalt  }
0x4b: {  	_ =	shalt  }
0x4c: {  	_ =	shalt  }
0x4d: {  	_ =	shalt  }
0x4e: {  	_ =	shalt  }
0x4f: {  	_ =	shalt  }
0x50: {  	_ =	shalt  }
0x51: {  	_ =	shalt  }
0x52: {  	_ =	shalt  }
0x53: {  	_ =	shalt  }
0x54: {  	_ =	shalt  }
0x55: {  	_ =	shalt  }
0x56: {  	_ =	shalt  }
0x57: {  	_ =	shalt  }
0x58: {  	_ =	shalt  }
0x59: {  	_ =	shalt  }
0x5a: {  	_ =	shalt  }
0x5b: {  	_ =	shalt  }
0x5c: {  	_ =	shalt  }
0x5d: {  	_ =	shalt  }
0x5e: {  	_ =	shalt  }
0x5f: {  	_ =	shalt  }
0x60: {  	_ =	shalt  }
0x61: {  	_ =	shalt  }
0x62: {  	_ =	shalt  }
0x63: {  	_ =	shalt  }
0x64: {  	_ =	shalt  }
0x65: {  	_ =	shalt  }
0x66: {  	_ =	shalt  }
0x67: {  	_ =	shalt  }
0x68: {  	_ =	shalt  }
0x69: {  	_ =	shalt  }
0x6a: {  	_ =	shalt  }
0x6b: {  	_ =	shalt  }
0x6c: {  	_ =	shalt  }
0x6d: {  	_ =	shalt  }
0x6e: {  	_ =	shalt  }
0x6f: {  	_ =	shalt  }
0x70: {  	_ =	shalt  }
0x71: {  	_ =	shalt  }
0x72: {  	_ =	shalt  }
0x73: {  	_ =	shalt  }
0x74: {  	_ =	shalt  }
0x75: {  	_ =	shalt  }
0x76: {  	_ =	shalt  }
0x77: {  	_ =	shalt  }
0x78: {  	_ =	shalt  }
0x79: {  	_ =	shalt  }
0x7a: {  	_ =	shalt  }
0x7b: {  	_ =	shalt  }
0x7c: {  	_ =	shalt  }
0x7d: {  	_ =	shalt  }
0x7e: {  	_ =	shalt  }
0x7f: {  	_ =	shalt  }
0x80: {  	_ =	shalt  }
0x81: {  	_ =	shalt  }
0x82: {  	_ =	shalt  }
0x83: {  	_ =	shalt  }
0x84: {  	_ =	shalt  }
0x85: {  	_ =	shalt  }
0x86: {  	_ =	shalt  }
0x87: {  	_ =	shalt  }
.Lfunc_end0:
.L_simem_size_0:
called_computation_lowered:
.L_overlay_start_0:
0x88: {  	s2 =	sld [smem:$0x3FD9]  }
0x89: {  	s3 =	sld [smem:$0x3FFE];
	_ =	sdelay $0x1  }
0x8a: {  	s1 =	srdreg.scid  }
0x8b: {  	s0 =	sand.u32 $0x1, s1  }
0x8c: {  	s16 =	sshll.u32 s0, $0xA;
	s2 =	sadd.s32 s3, s2  }
0x8d: {  	s2 =	sadd.s32 s2, s16  }
0x8e: {  	[smem:$0x3FC1] =	sst s2  }
0x8f: {  	_ = 	snop  }
0x90: {  	(tm) =	ssettm $0x1  }
0x91: {  	s17 =	sld [smem:$0x3FFB];
	_ =	sdelay $0x3  }
0x92: {  	_ =	strace s17  }
0x93: {  	s2 =	sld [smem:$0x3FFC];
	_ =	sdelay $0x3  }
0x94: {  	_ =	strace s2  }
0x95: {  	s2 =	sld [smem:$0x3FFD];
	_ =	sdelay $0x3  }
0x96: {  	_ =	strace s2  }
0x97: {  	_ =	strace $0x8FFFFFFF  }
0x98: {  	s18 =	sld [smem:$0x3FDB];
	_ =	sdelay $0x1  }
0x99: {  	s19 =	simm.s32 $_scs_section_size  }
0x9a: {  	s4 =	simm.s32 $_size__tile_overlayer_lowered;
	s5 =	simm.s32 $_tile_overlayer_lowered  }
0x9b: {  	s22 =	simm.s32 $0x1BFF;
	s21 =	sshll.u32 s5, $0x1;
	s2 =	sadd.s32 s19, s18  }
0x9c: {  	s6 =	simm.s32 $0x0;
	s20 =	sshll.u32 s4, $0x1;
	s4 =	sadd.s32 s21, s2  }
0x9d: {  	[timem:s6], [sflag:s22] =	dma.local [hbm:s4], s20  }
0x9e: {  	_ =	swait.ge [sflag:s22], s20  }
0x9f: {  	s3 =	ssub.s32 $0x0, s20;
	[sflag:s22] =	ssyncset.done $0x0  }
0xa0: {  	[sflag:s22] =	ssyncadd.s32 s3;
	_ =	sdelay $0x1  }
0xa1: {  	s23 =	simm.s32 $0x1B8B  }
0xa2: {  	_ =	swait.ge [sflag:s23], $0x1  }
0xa3: {  	[sflag:s23] =	ssyncset.done $0x0  }
0xa4: {  	s25 =	simm.s32 $0x1B8E;
	s24 =	sld [smem:$0x3FFE];
	[sflag:s23] =	ssyncadd.s32 $0xFFFFFFFF  }
0xa5: {  	s26 =	simm.s32 $execute0_lowered;
	[smem:$0x3FD2] =	sst s25  }
0xa6: {  	s4 =	sshll.u32 s26, $0x1;
	_ =	strace $0x80000046;
	[dreg:$0x1] =	wrdreg $0xFFFFFFFF  }
0xa7: {  	s28 =	simm.s32 $_size_execute0_lowered;
	s2 =	sadd.s32 s2, s4;
	[dreg:$0x0] =	wrdreg $0x0  }
0xa8: {  	s4 =	sshll.u32 s28, $0x1;
	[dreg:$0x2] =	wrdreg s2  }
0xa9: {  	[dreg:$0x3] =	wrdreg s4  }
0xaa: {  	[dreg:$0x4] =	wrdreg $0xC0  }
0xab: {  	_ =	task [dreg:s6], $0x5FFFF  }
0xac: {  	[dreg:$0x1] =	wrdreg $0xFFFFFFFF  }
0xad: {  	[dreg:$0x0] =	wrdreg $0x60  }
0xae: {  	[dreg:$0x2] =	wrdreg s24  }
0xaf: {  	[dreg:$0x3] =	wrdreg $0x9  }
0xb0: {  	_ =	task.clear_ibuf [dreg:s6], $0x4FFFF;
	_ =	strace $0x90000046  }
0xb1: {  	s29 =	simm.s32 $0x9;
	_ =	strace $0x80000048  }
0xb2: {  	_ =	swait.ge [sflag:s29], $0x1  }
0xb3: {  	[sflag:s29] =	ssyncadd.s32 $0xFFFFFFFF  }
0xb4: {  	_ =	strace $0x90000048  }
0xb5: {  	_ =	sfence  }
0xb6: {  	s30 =	sld [smem:$0x0];
	_ =	sdelay $0x2  }
0xb7: {  	s31 =	sshll.u32 s1, $0xD;
	s1 =	sshrl.u32 s1, $0x2  }
0xb8: {  	s3 =	sand.u32 $0x4000, s31;
	s1 =	sadd.s32 s1, s30  }
0xb9: {  	s0 =	sor.u32 s3, s0;
	s1 =	sshll.u32 s1, $0x11  }
0xba: {  	s0 =	sor.u32 s1, s0  }
0xbb: {  	s0 =	sadd.s32 $0x8F2B, s0  }
0xbc: {  	[sflag:s0] =	ssyncadd.remote.s32 $0x1  }
0xbd: {  	_ =	sfence.sel $0xFFFF  }
0xbe: {  	[dreg:$0x0] =	wrdreg $0xFFFFFFFF;
	(pc) =	sbr.abs _section_cstart, $3  }
0xbf: {  	[dreg:$0x1] =	wrdreg $0xFFFFFFFF  }
0xc0: {  	_ =	task.clear_ibuf [dreg:s6], $0x2FFFF;
	_ =	strace $0x9FFFFFFF  }
0xc1: {  	(tm) =	ssettm $0x7FFFFFFF  }
tec
execute0_lowered:
.L_overlay_start_1:
0x0: {  	(tag) =	ssettag $0x1  }
0x1: {  	s0 =	rddreg [dreg:$0x0]  }
0x2: {  	s1 =	simm.s32 $0x0;
	s2 =	srdreg.scid;
	s7 =	stileid.u32  }
0x3: {  	s10 =	simm.s32 $0x2;
	s11 =	simm.s32 $0x80;
	s13 =	simm.s32 $0x740  }
0x4: {  	s14 =	simm.s32 $0x3C0;
	s15 =	simm.s32 $0xF40;
	s16 =	simm.s32 $0x440  }
0x5: {  	s17 =	simm.s32 $0x1740;
	s18 =	simm.s32 $0x4C0;
	s19 =	simm.s32 $0x1F40  }
0x6: {  	s20 =	simm.s32 $0x540;
	s21 =	simm.s32 $0x2740;
	s22 =	simm.s32 $0x5C0  }
0x7: {  	s23 =	simm.s32 $0x2F40;
	s24 =	simm.s32 $0x640;
	s25 =	simm.s32 $0x3740  }
0x8: {  	s28 =	simm.s32 $0x3F40;
	s29 =	simm.s32 $0x1;
	[smem:$0x7FF] =	sst s1  }
0x9: {  	s3 =	sadd.s32 $0x4F7400, s0;
	s4 =	sadd.s32 $0x1400, s0;
	s2 =	sand.u32 $0x1, s2  }
0xa: {  	s5 =	sshll.u32 s7, $0x1;
	s8 =	smul.u32 $0x28000, s7;
	s6 =	ssub.s32 $0x2, s2  }
0xb: {  	s9 =	sor.u32 s2, s5;
	s2 =	smul.u32 $0x14000, s2;
	s26 =	sshrl.u32 s6, $0x1  }
0xc: {  	_ =	strace $0x80000047;
	s5 =	sadd.s32 $0x538400, s0;
	s30 =	ssub.s32 s6, s26  }
0xd: {  	s7 =	smul.u32 $0xA00, s9;
	s31 =	sadd.s32 s2, s8;
	s0 =	smax.u32 s30, $0x1  }
0xe: {  	v0 =	vlaneseq.u32;
	s6 =	smul.u32 $0x14000, s9;
	[dreg:$0x2] =	wrdreg s0;
	s0 =	sor.u32 $0x30, s31  }
0xf: {  	v1 =	vand.u32 $0x7, v0;
	s26 =	simm.s32 $0x6C0;
	s2 =	simm.s32 $0x0;
	[dreg:$0x3] =	wrdreg s0  }
.LBB2_1:
0x10: {  	[dreg:$0x4] =	wrdreg s2  }
0x11: {  	s31 =	rddreg [dreg:$0x3];
	s0 =	simm.s32 $0x0  }
.LBB2_2:
0x12: {  	s2 =	sshll.u32 s0, $0x5  }
0x13: {  	s2 =	sadd.s32 s7, s2  }
0x14: {  	s8 =	sadd.s32 $0xFFFFFFD0, s31;
	v2 =	vmov s2  }
0x15: {  	v3 =	vmov s8;
	v2 =	vsub.s32 $0x0, v2  }
0x16: {  	v4 =	vor.u32 s8, v0;
	v5 =	vshrl.u32 v3, $0x5;
	v2 =	vbroadcast v2, $0x0  }
0x17: {  	v4 =	vshrl.u32 v4, $0x3;
	v5 =	vand.u32 $0x3FFFFF8, v5  }
0x18: {  	v3 =	vshrl.u32 v3, $0x3;
	v4 =	vand.u32 $0x7, v4;
	v5 =	vadd.s32 v2, v5  }
0x19: {  	s2 =	smul.u32 $0x1A, s2;
	v3 =	vand.u32 $0x18, v3;
	v4 =	vor.u32 v4, v5  }
0x1a: {  	v3 =	vor.u32 v1, v3;
	v4 =	vmul.u32 $0x1A, v4  }
0x1b: {  	s12 =	sadd.s32 $0xFFFFFFE0, s31;
	s2 =	sshrl.u32 s2, $0x3;
	v3 =	vmin.u32 v3, $0x19  }
0x1c: {  	s2 =	sadd.s32 s3, s2;
	v5 =	vmov s12;
	v4 =	vadd.s32 v3, v4  }
0x1d: {  	v6 =	vor.u32 s12, v0;
	[tilespmem:s1], [sflag:$0x2] =	stream.linear.gather [hbm4b:s2+s1], $0x340, $0x38;
	v7 =	vshrl.u32 v5, $0x5;
	[tilespmem:$0x4740] =	vst v63  }
0x1e: {  	v6 =	vshrl.u32 v6, $0x3;
	_ =	swait.ge [sflag:s10], $0x340;
	v7 =	vand.u32 $0x3FFFFF8, v7  }
0x1f: {  	v6 =	vand.u32 $0x7, v6;
	[sflag:s10] =	ssyncset.done $0x0;
	v5 =	vshrl.u32 v5, $0x3;
	v7 =	vadd.s32 v2, v7  }
0x20: {  	[sflag:s10] =	ssyncadd.s32 $0xFFFFFCC0;
	v5 =	vand.u32 $0x18, v5;
	v6 =	vor.u32 v6, v7  }
0x21: {  	v5 =	vor.u32 v1, v5;
	v6 =	vmul.u32 $0x1A, v6;
	v4 =	vld.idx.msk [tilespmem:v4+s1+$0x0], $0xffff  }
0x22: {  	v5 =	vmin.u32 v5, $0x19  }
0x23: {  	s9 =	sadd.s32 $0xFFFFFFF0, s31;
	v6 =	vadd.s32 v5, v6  }
0x24: {  	v3 =	vmul.u32 $0x186C0, v3;
	v7 =	vmov s9  }
0x25: {  	v8 =	vor.u32 s9, v0;
	v9 =	vshrl.u32 v7, $0x5  }
0x26: {  	s8 =	simm.s32 $0x360;
	v3 =	vadd.s32 v3, v4;
	v4 =	vshrl.u32 v8, $0x3;
	v8 =	vand.u32 $0x3FFFFF8, v9  }
0x27: {  	[tilespmem:s8+$0xFFFFFFE0] =	vst v3;
	v3 =	vand.u32 $0x7, v4;
	v4 =	vshrl.u32 v7, $0x3;
	v7 =	vadd.s32 v2, v8  }
0x28: {  	v6 =	vld.idx.msk [tilespmem:v6+s1+$0x0], $0xffff;
	v4 =	vand.u32 $0x18, v4;
	v3 =	vor.u32 v3, v7  }
0x29: {  	v4 =	vor.u32 v1, v4;
	v7 =	vmul.u32 $0x1A, v3  }
0x2a: {  	v3 =	vmin.u32 v4, $0x19  }
0x2b: {  	v4 =	vmul.u32 $0x186C0, v5;
	v5 =	vadd.s32 v3, v7;
	v7 =	vmov s31  }
0x2c: {  	v8 =	vor.u32 s31, v0;
	v63 =	vshrl.u32 v7, $0x5  }
0x2d: {  	v4 =	vadd.s32 v4, v6;
	v6 =	vshrl.u32 v8, $0x3;
	v8 =	vand.u32 $0x3FFFFF8, v63  }
0x2e: {  	v7 =	vshrl.u32 v7, $0x3;
	v6 =	vand.u32 $0x7, v6;
	v8 =	vadd.s32 v2, v8  }
0x2f: {  	v7 =	vand.u32 $0x18, v7;
	[tilespmem:s8+$0xFFFFFFF0] =	vst v4;
	v4 =	vor.u32 v6, v8  }
0x30: {  	s12 =	sshll.u32 s0, $0xA;
	v7 =	vor.u32 v1, v7;
	v5 =	vld.idx.msk [tilespmem:v5+s1+$0x0], $0xffff;
	v6 =	vmul.u32 $0x1A, v4  }
0x31: {  	s30 =	sadd.s32 $0x40, s31;
	s2 =	sadd.s32 s6, s12;
	s9 =	simm.s32 $0x0;
	v4 =	vmin.u32 v7, $0x19  }
.LBB2_3:
0x32: {  	s12 =	sadd.s32 $0xFFFFFFD0, s30;
	s9 =	sadd.s32 $0x4, s9;
	v6 =	vadd.s32 v4, v6  }
0x33: {  	v3 =	vmul.u32 $0x186C0, v3;
	v7 =	vmov s12;
	p0 =	slt.u32 s9, $0x3C  }
0x34: {  	v8 =	vor.u32 s12, v0;
	v9 =	vshrl.u32 v7, $0x5  }
0x35: {  	v8 =	vshrl.u32 v8, $0x3;
	v3 =	vadd.s32 v3, v5;
	v9 =	vand.u32 $0x3FFFFF8, v9  }
0x36: {  	v7 =	vshrl.u32 v7, $0x3;
	v5 =	vand.u32 $0x7, v8;
	v8 =	vadd.s32 v2, v9;
	[tilespmem:s8+$0x0] =	vst v3  }
0x37: {  	v3 =	vand.u32 $0x18, v7;
	v5 =	vor.u32 v5, v8;
	v6 =	vld.idx.msk [tilespmem:v6+s1+$0x0], $0xffff  }
0x38: {  	v3 =	vor.u32 v1, v3;
	v5 =	vmul.u32 $0x1A, v5  }
0x39: {  	v3 =	vmin.u32 v3, $0x19  }
0x3a: {  	s12 =	sadd.s32 $0xFFFFFFE0, s30;
	v5 =	vadd.s32 v3, v5  }
0x3b: {  	v4 =	vmul.u32 $0x186C0, v4;
	v7 =	vmov s12  }
0x3c: {  	v8 =	vor.u32 s12, v0;
	v9 =	vshrl.u32 v7, $0x5  }
0x3d: {  	v8 =	vshrl.u32 v8, $0x3;
	v9 =	vand.u32 $0x3FFFFF8, v9;
	v4 =	vadd.s32 v4, v6  }
0x3e: {  	v7 =	vshrl.u32 v7, $0x3;
	v6 =	vand.u32 $0x7, v8;
	v8 =	vadd.s32 v2, v9;
	[tilespmem:s8+$0x10] =	vst v4  }
0x3f: {  	v6 =	vor.u32 v6, v8;
	v4 =	vld.idx.msk [tilespmem:v5+s1+$0x0], $0xffff;
	v5 =	vand.u32 $0x18, v7  }
0x40: {  	v6 =	vmul.u32 $0x1A, v6;
	v5 =	vor.u32 v1, v5  }
0x41: {  	v5 =	vmin.u32 v5, $0x19  }
0x42: {  	s12 =	sadd.s32 $0xFFFFFFF0, s30;
	v6 =	vadd.s32 v5, v6  }
0x43: {  	v3 =	vmul.u32 $0x186C0, v3;
	v7 =	vmov s12  }
0x44: {  	v8 =	vor.u32 s12, v0;
	v9 =	vshrl.u32 v7, $0x5  }
0x45: {  	s8 =	sadd.s32 $0x40, s8;
	v3 =	vadd.s32 v3, v4;
	v4 =	vshrl.u32 v8, $0x3;
	v8 =	vand.u32 $0x3FFFFF8, v9  }
0x46: {  	[tilespmem:s8+$0xFFFFFFE0] =	vst v3;
	v3 =	vand.u32 $0x7, v4;
	v4 =	vshrl.u32 v7, $0x3;
	v7 =	vadd.s32 v2, v8  }
0x47: {  	v6 =	vld.idx.msk [tilespmem:v6+s1+$0x0], $0xffff;
	v4 =	vand.u32 $0x18, v4;
	v3 =	vor.u32 v3, v7  }
0x48: {  	v4 =	vor.u32 v1, v4;
	v7 =	vmul.u32 $0x1A, v3  }
0x49: {  	v3 =	vmin.u32 v4, $0x19  }
0x4a: {  	v4 =	vadd.s32 v3, v7  }
0x4b: {  	v5 =	vmul.u32 $0x186C0, v5;
	v7 =	vmov s30  }
0x4c: {  	v8 =	vor.u32 s30, v0;
	v9 =	vshrl.u32 v7, $0x5  }
.Ltmp0:
0x4d: {  	v5 =	vadd.s32 v5, v6;
	v6 =	vshrl.u32 v8, $0x3;
	v8 =	vand.u32 $0x3FFFFF8, v9;
	(pc) =	sbr.rel @p0 .LBB2_3-.Ltmp0, $4  }
0x4e: {  	v7 =	vshrl.u32 v7, $0x3;
	v6 =	vand.u32 $0x7, v6;
	v8 =	vadd.s32 v2, v8;
	[tilespmem:s8+$0xFFFFFFF0] =	vst v5  }
0x4f: {  	v6 =	vor.u32 v6, v8;
	v5 =	vld.idx.msk [tilespmem:v4+s1+$0x0], $0xffff;
	v4 =	vand.u32 $0x18, v7  }
0x50: {  	v6 =	vmul.u32 $0x1A, v6;
	v4 =	vor.u32 v1, v4  }
0x51: {  	s30 =	sadd.s32 $0x40, s30;
	v4 =	vmin.u32 v4, $0x19  }
0x52: {  	v2 =	vadd.s32 v4, v6  }
0x53: {  	v3 =	vmul.u32 $0x186C0, v3;
	_ =	sdelay $0x1  }
0x54: {  	v3 =	vadd.s32 v3, v5  }
0x55: {  	[tilespmem:s8+$0x0] =	vst v3  }
0x56: {  	v2 =	vld.idx.msk [tilespmem:v2+s1+$0x0], $0xffff;
	_ =	sdelay $0x2  }
0x57: {  	v3 =	vmul.u32 $0x186C0, v4;
	_ =	sdelay $0x1  }
0x58: {  	v2 =	vadd.s32 v3, v2  }
0x59: {  	s30 =	simm.s32 $0x340;
	[tilespmem:s8+$0x10] =	vst v2  }
0x5a: {  	[tilespmem:s13], [sflag:$0x1] =	stream.indirect.gather [hbm4b:s4+s11], $0x10, s30, s11, $0xb8;
	[tilespmem:$0x4740] =	vst v63  }
0x5b: {  	_ = 	snop  }
0x5c: {  	[tilespmem:s15], [sflag:$0x1] =	stream.indirect.gather [hbm4b:s4+s11], $0x10, s14, s11, $0xb8;
	[tilespmem:$0x4740] =	vst v63  }
0x5d: {  	_ = 	snop  }
0x5e: {  	[tilespmem:s17], [sflag:$0x1] =	stream.indirect.gather [hbm4b:s4+s11], $0x10, s16, s11, $0xb8;
	[tilespmem:$0x4740] =	vst v63  }
0x5f: {  	_ = 	snop  }
0x60: {  	[tilespmem:s19], [sflag:$0x1] =	stream.indirect.gather [hbm4b:s4+s11], $0x10, s18, s11, $0xb8;
	[tilespmem:$0x4740] =	vst v63  }
0x61: {  	_ = 	snop  }
0x62: {  	[tilespmem:s21], [sflag:$0x1] =	stream.indirect.gather [hbm4b:s4+s11], $0x10, s20, s11, $0xb8;
	[tilespmem:$0x4740] =	vst v63  }
0x63: {  	_ = 	snop  }
0x64: {  	[tilespmem:s23], [sflag:$0x1] =	stream.indirect.gather [hbm4b:s4+s11], $0x10, s22, s11, $0xb8;
	[tilespmem:$0x4740] =	vst v63  }
0x65: {  	_ = 	snop  }
0x66: {  	[tilespmem:s25], [sflag:$0x1] =	stream.indirect.gather [hbm4b:s4+s11], $0x10, s24, s11, $0xb8;
	[tilespmem:$0x4740] =	vst v63  }
0x67: {  	_ = 	snop  }
0x68: {  	[tilespmem:s28], [sflag:$0x1] =	stream.indirect.gather [hbm4b:s4+s11], $0x10, s26, s11, $0xb8;
	[tilespmem:$0x4740] =	vst v63  }
0x69: {  	_ =	swait.ge [sflag:s29], $0x800  }
0x6a: {  	[sflag:s29] =	ssyncset.done $0x0  }
0x6b: {  	[sflag:s29] =	ssyncadd.s32 $0xFFFFF800  }
0x6c: {  	_ =	swait.ge [sflag:s29], $0x800  }
0x6d: {  	[sflag:s29] =	ssyncset.done $0x0  }
0x6e: {  	[sflag:s29] =	ssyncadd.s32 $0xFFFFF800  }
0x6f: {  	_ =	swait.ge [sflag:s29], $0x800  }
0x70: {  	[sflag:s29] =	ssyncset.done $0x0  }
0x71: {  	[sflag:s29] =	ssyncadd.s32 $0xFFFFF800  }
0x72: {  	_ =	swait.ge [sflag:s29], $0x800  }
0x73: {  	[sflag:s29] =	ssyncset.done $0x0  }
0x74: {  	[sflag:s29] =	ssyncadd.s32 $0xFFFFF800  }
0x75: {  	_ =	swait.ge [sflag:s29], $0x800  }
0x76: {  	[sflag:s29] =	ssyncset.done $0x0  }
0x77: {  	[sflag:s29] =	ssyncadd.s32 $0xFFFFF800  }
0x78: {  	_ =	swait.ge [sflag:s29], $0x800  }
0x79: {  	[sflag:s29] =	ssyncset.done $0x0  }
0x7a: {  	[sflag:s29] =	ssyncadd.s32 $0xFFFFF800  }
0x7b: {  	_ =	swait.ge [sflag:s29], $0x800  }
0x7c: {  	[sflag:s29] =	ssyncset.done $0x0  }
0x7d: {  	[sflag:s29] =	ssyncadd.s32 $0xFFFFF800  }
0x7e: {  	s0 =	sadd.s32 $0x1, s0;
	_ =	swait.ge [sflag:s29], $0x800  }
0x7f: {  	s2 =	sshll.u32 s2, $0x1;
	p0 =	sne.s32 s0, $0x50;
	[sflag:s29] =	ssyncset.done $0x0  }
.Ltmp1:
0x80: {  	s2 =	sadd.s32 s5, s2;
	[sflag:s29] =	ssyncadd.s32 $0xFFFFF800;
	(pc) =	sbr.rel @p0 .LBB2_2-.Ltmp1, $4  }
0x81: {  	[hbm4b:s2+s1] =	stream.linear.scatter [tilespmem:s13], [sflag:$0x2], $0x4000, $0x38;
	[tilespmem:$0x4740] =	vst v63  }
0x82: {  	_ =	swait.ge [sflag:s10], $0x4000  }
0x83: {  	[sflag:s10] =	ssyncset.done $0x0  }
0x84: {  	s31 =	sadd.s32 $0x400, s31;
	[sflag:s10] =	ssyncadd.s32 $0xFFFFC000  }
0x85: {  	s2 =	rddreg [dreg:$0x4]  }
0x86: {  	s0 =	rddreg [dreg:$0x2];
	s2 =	sadd.s32 $0x1, s2  }
0x87: {  	p0 =	sne.s32 s2, s0  }
.Ltmp2:
0x88: {  	_ = 	snop;
	(pc) =	sbr.rel @p0 .LBB2_1-.Ltmp2, $1  }
0x89: {  	_ =	sdelay $0x3  }
0x8a: {  	_ =	sfence.sel $0x180000  }
0x8b: {  	[bflag:$0x0] =	sbarrier.arrive $0xFFFF  }
0x8c: {  	_ =	strace $0x90000047  }
0x8d: {  	s0 =	stileid.u32;
	[bflag:$0x2] =	sbarrier.arrive $0xFFFF  }
0x8e: {  	p0 =	sne.s32 s0, $0x0;
	s0 =	rddreg [dreg:$0x1]  }
0x8f: {  	s0 =	sadd.s32 @!p0 $0x100000, s0  }
0x90: {  	[sflag:s0] =	ssyncadd.tile.s32 @!p0 $0x1;
	_ =	shalt  }
.Lfunc_end2:
_tile_overlayer_lowered:
.L_overlay_start_2:
0x91: {  	(tag) =	ssettag $0x2  }
0x92: {  	s0 =	rddreg [dreg:$0x0];
	s2 =	stileid.u32  }
0x93: {  	s1 =	rddreg [dreg:$0x1];
	p0 =	sne.s32 s2, $0x0  }
0x94: {  	s3 =	rddreg [dreg:$0x2];
	[bflag:$0x3] =	sbarrier.arrive $0xFFFF;
	s2 =	simm.s32 @!p0 $0x1C02  }
0x95: {  	[timem:s3], [sflag:s2] =	dma.local @!p0 [hbm:s0], s1  }
0x96: {  	s0 =	simm.s32 @!p0 $0x2  }
0x97: {  	_ =	swait.ge @!p0 [sflag:s0], s1  }
0x98: {  	s1 =	ssub.s32 @!p0 $0x0, s1;
	[sflag:s0] =	ssyncset.done @!p0 $0x0  }
0x99: {  	[sflag:s0] =	ssyncadd.s32 @!p0 s1  }
0x9a: {  	[bflag:$0x3] =	sbarrier.arrive $0xFFFF  }
0x9b: {  	_ =	shalt  }

</sc_bundles>
